<compile_context>
chip_gen: v7x
topology: tpu7x:2x2x1
jax: 0.10.2.dev20260603
libtpu: 0.0.44.dev20260713+nightly
codegen_flags: <defaults>
</compile_context>

<pallas_src>
import functools

import jax
import jax.numpy as jnp
from jax import lax
from jax.experimental import pallas as pl
from jax.experimental.pallas import tpu as pltpu
from jax.experimental.pallas import tpu_sc as plsc

N = 10000
E = 160000
D = 128
G = 100
INV_AVG_ADJ = 1.0 / 16.0

NB_N = 5
BN = N // NB_N
NB_E = 16
BE = E // NB_E
CHUNK = 128
NCHUNKS = E // CHUNK
NWORKERS = 32
NSEG = 1
SEG_CHUNKS = NCHUNKS // NSEG
SEG_E = E // NSEG
SEG_BLOCKS = SEG_E // 1600
SEG_ITERS = -(-SEG_CHUNKS // NWORKERS)
ROWS_PER_TILE = 624
TAIL_ROWS = N - 16 * ROWS_PER_TILE
TAIL_BASE = 16 * ROWS_PER_TILE


def _silu(t):
    return t * jax.nn.sigmoid(t)


def _proj_body(x_ref, w1a_ref, w1b_ref, b1_ref, xa_ref, xb_ref):
    xblk = x_ref[...]
    xa_ref[...] = (
        jnp.dot(xblk, w1a_ref[...], preferred_element_type=jnp.float32)
        + b1_ref[...]
    )
    xb_ref[...] = jnp.dot(xblk, w1b_ref[...], preferred_element_type=jnp.float32)


def _proj(x, w1a, w1b, b1):
    bp = 2000
    return pl.pallas_call(
        _proj_body,
        grid=(N // bp,),
        in_specs=[
            pl.BlockSpec((bp, D), lambda i: (i, 0)),
            pl.BlockSpec((D, D), lambda i: (0, 0)),
            pl.BlockSpec((D, D), lambda i: (0, 0)),
            pl.BlockSpec((1, D), lambda i: (0, 0)),
        ],
        out_specs=[
            pl.BlockSpec((bp, D), lambda i: (i, 0)),
            pl.BlockSpec((bp, D), lambda i: (i, 0)),
        ],
        out_shape=[jax.ShapeDtypeStruct((N, D), jnp.float32)] * 2,
    )(x, w1a, w1b, b1)


def _sc_gather(xa, xb, idx2, seg):
    mesh = plsc.VectorSubcoreMesh(core_axis_name="c", subcore_axis_name="s")
    c0 = seg * SEG_CHUNKS
    c1 = c0 + SEG_CHUNKS

    @functools.partial(
        pl.kernel,
        out_type=jax.ShapeDtypeStruct((SEG_E, D), jnp.float32),
        mesh=mesh,
        scratch_types=[
            pltpu.VMEM((2, 2, CHUNK), jnp.int32),
            pltpu.VMEM((2, CHUNK, D), jnp.float32),
            pltpu.VMEM((2, CHUNK, D), jnp.float32),
        ] + [pltpu.SemaphoreType.DMA] * 8,
        name=f"sc_gather_{seg}",
    )
    def k(xa_hbm, xb_hbm, idx_hbm, g_hbm,
          idx_v, rows_a, rows_b,
          sem_i0, sem_i1, sem_a0, sem_a1, sem_b0, sem_b1, sem_w0, sem_w1):
        wid = lax.axis_index("s") * 2 + lax.axis_index("c")
        sem_i = [sem_i0, sem_i1]
        sem_a = [sem_a0, sem_a1]
        sem_b = [sem_b0, sem_b1]
        sem_w = [sem_w0, sem_w1]

        pltpu.async_copy(idx_hbm.at[c0 + wid], idx_v.at[0], sem_i0)

        def body(i, carry):
            slot = lax.rem(i, 2)
            nslot = lax.rem(i + 1, 2)
            c_prev = c0 + wid + NWORKERS * (i - 1)
            c_cur = c0 + wid + NWORKERS * i
            c_next = c0 + wid + NWORKERS * (i + 1)
            c_prev2 = c0 + wid + NWORKERS * (i - 2)

            @pl.when((i >= 1) & (c_prev < c1))
            def _():
                for s in range(2):
                    @pl.when(nslot == s)
                    def _():
                        pltpu.make_async_copy(
                            xa_hbm.at[idx_v.at[s, 0]], rows_a.at[s], sem_a[s]
                        ).wait()
                        pltpu.make_async_copy(
                            xb_hbm.at[idx_v.at[s, 1]], rows_b.at[s], sem_b[s]
                        ).wait()

            @pl.when(c_next < c1)
            def _():
                for s in range(2):
                    @pl.when(nslot == s)
                    def _():
                        pltpu.async_copy(idx_hbm.at[c_next], idx_v.at[s], sem_i[s])

            for s in range(2):
                @pl.when(slot == s)
                def _():
                    @pl.when((i >= 2) & (c_prev2 < c1))
                    def _():
                        pltpu.make_async_copy(
                            rows_a.at[s],
                            g_hbm.at[pl.ds((c_prev2 - c0) * CHUNK, CHUNK)],
                            sem_w[s],
                        ).wait()

                    @pl.when(c_cur < c1)
                    def _():
                        pltpu.make_async_copy(
                            idx_hbm.at[c_cur], idx_v.at[s], sem_i[s]
                        ).wait()
                        pltpu.async_copy(
                            xa_hbm.at[idx_v.at[s, 0]], rows_a.at[s], sem_a[s]
                        )
                        pltpu.async_copy(
                            xb_hbm.at[idx_v.at[s, 1]], rows_b.at[s], sem_b[s]
                        )

            @pl.when((i >= 1) & (c_prev < c1))
            def _():
                for s in range(2):
                    @pl.when(nslot == s)
                    def _():
                        def row_add(r, cc):
                            for jj in range(D // 16):
                                sl = pl.ds(jj * 16, 16)
                                rows_a[s, r, sl] = rows_a[s, r, sl] + rows_b[s, r, sl]
                            return cc

                        lax.fori_loop(0, CHUNK, row_add, 0)
                        pltpu.async_copy(
                            rows_a.at[s],
                            g_hbm.at[pl.ds((c_prev - c0) * CHUNK, CHUNK)],
                            sem_w[s],
                        )

            return carry

        lax.fori_loop(0, SEG_ITERS + 2, body, 0)

    return k(xa, xb, idx2)


def _edge_body(g_ref, ea_ref, w1c_ref, w2_ref, b2_ref, out_ref):
    t = g_ref[...] + jnp.dot(
        ea_ref[...], w1c_ref[...], preferred_element_type=jnp.float32
    )
    h = _silu(t)
    out_ref[...] = (
        jnp.dot(h, w2_ref[...], preferred_element_type=jnp.float32)
        + b2_ref[...]
    )


def _edge_mlp(g, ea, w1c, w2, b2):
    blk = lambda i: (i, 0)
    whole = lambda i: (0, 0)
    return pl.pallas_call(
        _edge_body,
        grid=(NB_E,),
        in_specs=[
            pl.BlockSpec((BE, D), blk),
            pl.BlockSpec((BE, D), blk),
            pl.BlockSpec((D, D), whole),
            pl.BlockSpec((D, D), whole),
            pl.BlockSpec((1, D), whole),
        ],
        out_specs=pl.BlockSpec((BE, D), blk),
        out_shape=jax.ShapeDtypeStruct((E, D), jnp.float32),
    )(g, ea, w1c, w2, b2)


def _sc_scatter(enh, dst2d, init, seg):
    mesh = plsc.VectorSubcoreMesh(core_axis_name="c", subcore_axis_name="s")
    c0 = seg * SEG_CHUNKS
    c1 = c0 + SEG_CHUNKS

    @functools.partial(
        pl.kernel,
        out_type=jax.ShapeDtypeStruct((2, N, D), jnp.float32),
        mesh=mesh,
        scratch_types=[
            pltpu.VMEM((2, CHUNK), jnp.int32),
            pltpu.VMEM((2, CHUNK, D), jnp.float32),
            pltpu.VMEM_SHARED((N, D), jnp.float32),
        ] + [pltpu.SemaphoreType.DMA] * 6,
        name=f"sc_scatter_{seg}",
    )
    def k(en_hbm, dst_hbm, init_hbm, out_hbm, idx_v, rows_v, acc_sh,
          sem_i0, sem_i1, sem_r0, sem_r1, sem_s0, sem_s1):
        cid = lax.axis_index("c")
        sid = lax.axis_index("s")
        wid = sid * 2 + cid
        r0 = pl.multiple_of(sid * ROWS_PER_TILE, 8)
        sem_i = [sem_i0, sem_i1]
        sem_r = [sem_r0, sem_r1]
        sem_s = [sem_s0, sem_s1]

        pltpu.async_copy(dst_hbm.at[c0 + wid], idx_v.at[0], sem_i0)
        pltpu.async_copy(en_hbm.at[pl.ds(wid * CHUNK, CHUNK)], rows_v.at[0], sem_r0)

        pltpu.sync_copy(
            init_hbm.at[cid, pl.ds(r0, ROWS_PER_TILE)],
            acc_sh.at[pl.ds(r0, ROWS_PER_TILE)],
        )

        @pl.when(sid == 0)
        def _():
            pltpu.sync_copy(
                init_hbm.at[cid, pl.ds(TAIL_BASE, TAIL_ROWS)],
                acc_sh.at[pl.ds(TAIL_BASE, TAIL_ROWS)],
            )

        plsc.subcore_barrier()

        def body(i, carry):
            slot = lax.rem(i, 2)
            nslot = lax.rem(i + 1, 2)
            c_prev = c0 + wid + NWORKERS * (i - 1)
            c_cur = c0 + wid + NWORKERS * i
            c_next = c0 + wid + NWORKERS * (i + 1)

            @pl.when((i >= 1) & (c_prev < c1))
            def _():
                for s in range(2):
                    @pl.when(nslot == s)
                    def _():
                        pltpu.make_async_copy(
                            rows_v.at[s], acc_sh.at[idx_v.at[s]], sem_s[s]
                        ).wait()

            @pl.when(c_next < c1)
            def _():
                for s in range(2):
                    @pl.when(nslot == s)
                    def _():
                        pltpu.async_copy(dst_hbm.at[c_next], idx_v.at[s], sem_i[s])
                        pltpu.async_copy(
                            en_hbm.at[pl.ds((c_next - c0) * CHUNK, CHUNK)],
                            rows_v.at[s], sem_r[s],
                        )

            @pl.when(c_cur < c1)
            def _():
                for s in range(2):
                    @pl.when(slot == s)
                    def _():
                        pltpu.make_async_copy(
                            dst_hbm.at[c_cur], idx_v.at[s], sem_i[s]
                        ).wait()
                        pltpu.make_async_copy(
                            en_hbm.at[pl.ds((c_cur - c0) * CHUNK, CHUNK)],
                            rows_v.at[s], sem_r[s],
                        ).wait()
                        pltpu.async_copy(
                            rows_v.at[s], acc_sh.at[idx_v.at[s]], sem_s[s],
                            add=True,
                        )

            return carry

        lax.fori_loop(0, SEG_ITERS + 1, body, 0)
        plsc.subcore_barrier()
        pltpu.sync_copy(
            acc_sh.at[pl.ds(r0, ROWS_PER_TILE)],
            out_hbm.at[cid, pl.ds(r0, ROWS_PER_TILE)],
        )

        @pl.when(sid == 0)
        def _():
            pltpu.sync_copy(
                acc_sh.at[pl.ds(TAIL_BASE, TAIL_ROWS)],
                out_hbm.at[cid, pl.ds(TAIL_BASE, TAIL_ROWS)],
            )

    return k(enh, dst2d, init)


def _node_body(x_ref, p0_ref, p1_ref, b_ref, upad_ref,
               n1a_ref, n1b_ref, n1c_ref, nb1_ref, nw2_ref, nb2_ref,
               g1a_ref, g1b_ref, gb1_ref, gw2_ref, gb2_ref,
               xn_ref, uout_ref, sums_ref, cnt_ref):
    i = pl.program_id(0)

    @pl.when(i == 0)
    def _():
        sums_ref[...] = jnp.zeros((D, D), jnp.float32)
        cnt_ref[...] = jnp.zeros((D, D), jnp.float32)

    oh = (b_ref[...] == lax.broadcasted_iota(jnp.int32, (BN, D), 1)).astype(
        jnp.float32
    )
    ug = jnp.dot(upad_ref[...], n1c_ref[...], preferred_element_type=jnp.float32)
    msgs = (p0_ref[...] + p1_ref[...]) * INV_AVG_ADJ
    pre = (
        jnp.dot(x_ref[...], n1a_ref[...], preferred_element_type=jnp.float32)
        + jnp.dot(msgs, n1b_ref[...], preferred_element_type=jnp.float32)
        + jnp.dot(oh, ug, preferred_element_type=jnp.float32)
        + nb1_ref[...]
    )
    xn = (
        jnp.dot(_silu(pre), nw2_ref[...], preferred_element_type=jnp.float32)
        + nb2_ref[...]
    )
    xn_ref[...] = xn

    dims = (((0,), (0,)), ((), ()))
    sums_ref[...] += lax.dot_general(
        oh, xn, dims, preferred_element_type=jnp.float32
    )
    cnt_ref[...] += lax.dot_general(
        oh, jnp.ones((BN, D), jnp.float32), dims, preferred_element_type=jnp.float32
    )

    @pl.when(i == NB_N - 1)
    def _():
        mean = sums_ref[...] / jnp.maximum(cnt_ref[...], 1.0)
        t = (
            jnp.dot(upad_ref[...], g1a_ref[...], preferred_element_type=jnp.float32)
            + jnp.dot(mean, g1b_ref[...], preferred_element_type=jnp.float32)
            + gb1_ref[...]
        )
        uout_ref[...] = (
            jnp.dot(_silu(t), gw2_ref[...], preferred_element_type=jnp.float32)
            + gb2_ref[...]
        )


def _node_global(x, p0, p1, batch2d, upad,
                 n1a, n1b, n1c, nb1, nw2, nb2,
                 g1a, g1b, gb1, gw2, gb2):
    whole = lambda i: (0, 0)
    blk = lambda i: (i, 0)
    return pl.pallas_call(
        _node_body,
        grid=(NB_N,),
        in_specs=[
            pl.BlockSpec((BN, D), blk),
            pl.BlockSpec((BN, D), blk),
            pl.BlockSpec((BN, D), blk),
            pl.BlockSpec((BN, 1), blk),
            pl.BlockSpec((D, D), whole),
            pl.BlockSpec((D, D), whole),
            pl.BlockSpec((D, D), whole),
            pl.BlockSpec((D, D), whole),
            pl.BlockSpec((1, D), whole),
            pl.BlockSpec((D, D), whole),
            pl.BlockSpec((1, D), whole),
            pl.BlockSpec((D, D), whole),
            pl.BlockSpec((D, D), whole),
            pl.BlockSpec((1, D), whole),
            pl.BlockSpec((D, D), whole),
            pl.BlockSpec((1, D), whole),
        ],
        out_specs=[
            pl.BlockSpec((BN, D), blk),
            pl.BlockSpec((D, D), whole),
        ],
        out_shape=[
            jax.ShapeDtypeStruct((N, D), jnp.float32),
            jax.ShapeDtypeStruct((D, D), jnp.float32),
        ],
        scratch_shapes=[
            pltpu.VMEM((D, D), jnp.float32),
            pltpu.VMEM((D, D), jnp.float32),
        ],
    )(x, p0, p1, batch2d, upad,
      n1a, n1b, n1c, nb1, nw2, nb2,
      g1a, g1b, gb1, gw2, gb2)


def kernel(x, edge_index, edge_attr, u, batch,
           e_w1, e_b1, e_w2, e_b2,
           n_w1, n_b1, n_w2, n_b2,
           g_w1, g_b1, g_w2, g_b2):
    src2d = edge_index[0].reshape(NCHUNKS, CHUNK)
    dst2d = edge_index[1].reshape(NCHUNKS, CHUNK)
    idx2 = jnp.stack([src2d, dst2d], axis=1)
    w1a, w1b, w1c = e_w1[:D], e_w1[D:2 * D], e_w1[2 * D:]
    n1a, n1b, n1c = n_w1[:D], n_w1[D:2 * D], n_w1[2 * D:]
    g1a, g1b = g_w1[:D], g_w1[D:]
    upad = jnp.zeros((D, D), jnp.float32).at[:G].set(u)
    batch2d = batch.reshape(N, 1)

    xa, xb = _proj(x, w1a, w1b, e_b1.reshape(1, D))
    g = _sc_gather(xa, xb, idx2, 0)
    en = _edge_mlp(g, edge_attr, w1c, e_w2, e_b2.reshape(1, D))
    zeros = jnp.zeros((2, N, D), jnp.float32)
    partials = _sc_scatter(en, dst2d, zeros, 0)
    x_new, uout = _node_global(
        x, partials[0], partials[1], batch2d, upad,
        n1a, n1b, n1c, n_b1.reshape(1, D), n_w2, n_b2.reshape(1, D),
        g1a, g1b, g_b1.reshape(1, D), g_w2, g_b2.reshape(1, D),
    )
    return (x_new, en, uout[:G])

# --- scband reference (transcript-rebuilt; emitter-appended) ---
"""Pipeline reference for scband-gno-meblock-85031762526565 (READ-ONLY COPY).

The authoritative reference and input builder live on the scoring server;
editing this copy changes nothing except your own understanding.
"""

import jax, jax.numpy as jnp
import numpy as np

N = 10000
E = 160000
D = 128
G = 100
AVG_ADJ = 16.0


def _linear_init(key, in_dim, out_dim):
    k1, k2 = jax.random.split(key)
    bound = 1.0 / np.sqrt(in_dim)
    w = jax.random.uniform(k1, (in_dim, out_dim), jnp.float32, -bound, bound)
    b = jax.random.uniform(k2, (out_dim,), jnp.float32, -bound, bound)
    return w, b


def _mlp(h, w1, b1, w2, b2):
    return jax.nn.silu(h @ w1 + b1) @ w2 + b2


def setup_inputs(seed: int = 0) -> dict:
    key = jax.random.key(seed)
    ks = jax.random.split(key, 16)
    x = jax.random.normal(ks[0], (N, D), jnp.float32)
    edge_index = jax.random.randint(ks[1], (2, E), 0, N, jnp.int32)
    edge_attr = jax.random.normal(ks[2], (E, D), jnp.float32)
    u = jax.random.normal(ks[3], (G, D), jnp.float32)
    batch = jnp.sort(jax.random.randint(ks[4], (N,), 0, G, jnp.int32))
    e_w1, e_b1 = _linear_init(ks[5], 3 * D, D)
    e_w2, e_b2 = _linear_init(ks[6], D, D)
    n_w1, n_b1 = _linear_init(ks[7], 3 * D, D)
    n_w2, n_b2 = _linear_init(ks[8], D, D)
    g_w1, g_b1 = _linear_init(ks[9], 2 * D, D)
    g_w2, g_b2 = _linear_init(ks[10], D, D)
    return {"x": x, "edge_index": edge_index, "edge_attr": edge_attr, "u": u, "batch": batch,
            "e_w1": e_w1, "e_b1": e_b1, "e_w2": e_w2, "e_b2": e_b2,
            "n_w1": n_w1, "n_b1": n_b1, "n_w2": n_w2, "n_b2": n_b2,
            "g_w1": g_w1, "g_b1": g_b1, "g_w2": g_w2, "g_b2": g_b2}


def reference(x, edge_index, edge_attr, u, batch,
              e_w1, e_b1, e_w2, e_b2,
              n_w1, n_b1, n_w2, n_b2,
              g_w1, g_b1, g_w2, g_b2):
    src = edge_index[0]
    dst = edge_index[1]
    # edge update
    edge_inputs = jnp.concatenate([x[src], x[dst], edge_attr], axis=-1)
    edge_attr_new = _mlp(edge_inputs, e_w1, e_b1, e_w2, e_b2)
    # aggregate messages at destination nodes (scatter-add)
    edge_messages = jax.ops.segment_sum(edge_attr_new, dst, num_segments=N)
    edge_messages = edge_messages / AVG_ADJ
    # node update
    node_inputs = jnp.concatenate([x, edge_messages, u[batch]], axis=-1)
    x_new = _mlp(node_inputs, n_w1, n_b1, n_w2, n_b2)
    # per-graph mean of node states (scatter-mean)
    sums = jax.ops.segment_sum(x_new, batch, num_segments=G)
    counts = jax.ops.segment_sum(jnp.ones((x_new.shape[0], 1), jnp.float32), batch, num_segments=G)
    node_per_graph = sums / jnp.maximum(counts, 1.0)
    # global update
    global_inputs = jnp.concatenate([u, node_per_graph], axis=-1)
    u_new = _mlp(global_inputs, g_w1, g_b1, g_w2, g_b2)
    return (x_new, edge_attr_new, u_new)

if __name__ == "__main__":
    import jax
    _d = setup_inputs()
    print(jax.jit(kernel)(*tuple(_d.values())))

</pallas_src>

<mosaic_0001>
#map = affine_map<(d0, d1) -> (0, 0)>
#map1 = affine_map<(d0, d1) -> (0, 0, 0)>
module attributes {stable_mosaic.version = 14 : i64} {
  func.func @sc_scatter_0(%arg0: i32, %arg1: i32, %arg2: memref<160000x128xf32, #tpu.memory_space<hbm>>, %arg3: memref<1250x128xi32, #tpu.memory_space<hbm>>, %arg4: memref<2x10000x128xf32, #tpu.memory_space<hbm>>, %arg5: memref<2x10000x128xf32, #tpu.memory_space<hbm>>, %arg6: memref<2x128xi32, #tpu.memory_space<vmem>>, %arg7: memref<2x128x128xf32, #tpu.memory_space<vmem>>, %arg8: memref<10000x128xf32, #tpu.memory_space<vmem_shared>>, %arg9: memref<!tpu.dma_semaphore, #tpu.memory_space<semaphore_mem>>, %arg10: memref<!tpu.dma_semaphore, #tpu.memory_space<semaphore_mem>>, %arg11: memref<!tpu.dma_semaphore, #tpu.memory_space<semaphore_mem>>, %arg12: memref<!tpu.dma_semaphore, #tpu.memory_space<semaphore_mem>>, %arg13: memref<!tpu.dma_semaphore, #tpu.memory_space<semaphore_mem>>, %arg14: memref<!tpu.dma_semaphore, #tpu.memory_space<semaphore_mem>>) attributes {dimension_semantics = [#tpu.dimension_semantics<core_parallel>, #tpu.dimension_semantics<subcore_parallel>], iteration_bounds = array<i64: 2, 16>, scalar_prefetch = 0 : i64, scratch_operands = 9 : i64, tpu.core_type = #tpu.core_type<sc_vector_subcore>, window_params = [{transform_indices = #map}, {transform_indices = #map}, {transform_indices = #map1}, {transform_indices = #map1}]} {
    %mul3A = arith.constant 2 : i32
    %mul3A_0 = arith.muli %arg1, %mul3A : i32
    %add3A = arith.addi %mul3A_0, %arg0 : i32
    %mul3A_1 = arith.constant 624 : i32
    %mul3A_2 = arith.muli %arg1, %mul3A_1 : i32
    %multiple_of3A = tpu.assume_multiple %mul3A_2, 8 : i32
    %add3A_3 = arith.constant 0 : i32
    %add3A_4 = arith.addi %add3A_3, %add3A : i32
    %dma_start3A = arith.constant 0 : i32
    %dma_start3A_5 = arith.constant 0 : i32
    %dma_start3A_6 = tpu.memref_slice %arg6[%dma_start3A, %dma_start3A_5] : memref<2x128xi32, #tpu.memory_space<vmem>> -> memref<1x128xi32, #tpu.memory_space<vmem>>
    %dma_start3A_7 = tpu.memref_squeeze %dma_start3A_6 : memref<1x128xi32, #tpu.memory_space<vmem>> -> memref<128xi32, #tpu.memory_space<vmem>>
    %dma_start3A_8 = arith.constant 0 : i32
    %dma_start3A_9 = tpu.memref_slice %arg3[%add3A_4, %dma_start3A_8] : memref<1250x128xi32, #tpu.memory_space<hbm>> -> memref<1x128xi32, #tpu.memory_space<hbm>>
    %dma_start3A_10 = tpu.memref_squeeze %dma_start3A_9 : memref<1x128xi32, #tpu.memory_space<hbm>> -> memref<128xi32, #tpu.memory_space<hbm>>
    %dma_start3A_11 = arith.constant 0 : i32
    %dma_start3A_12 = tpu.memref_slice %arg6[%dma_start3A, %dma_start3A_11] : memref<2x128xi32, #tpu.memory_space<vmem>> -> memref<1x128xi32, #tpu.memory_space<vmem>>
    %dma_start3A_13 = tpu.memref_squeeze %dma_start3A_12 : memref<1x128xi32, #tpu.memory_space<vmem>> -> memref<128xi32, #tpu.memory_space<vmem>>
    %dma_start3A_14 = arith.constant 0 : i32
    %dma_start3A_15 = tpu.memref_slice %arg3[%add3A_4, %dma_start3A_14] : memref<1250x128xi32, #tpu.memory_space<hbm>> -> memref<1x128xi32, #tpu.memory_space<hbm>>
    %dma_start3A_16 = tpu.memref_squeeze %dma_start3A_15 : memref<1x128xi32, #tpu.memory_space<hbm>> -> memref<128xi32, #tpu.memory_space<hbm>>
    tpu.enqueue_dma source(%dma_start3A_16 : memref<128xi32, #tpu.memory_space<hbm>>) target(%dma_start3A_13 : memref<128xi32, #tpu.memory_space<vmem>>) target_semaphore(%arg9 : memref<!tpu.dma_semaphore, #tpu.memory_space<semaphore_mem>>)
    %mul3A_17 = arith.constant 128 : i32
    %mul3A_18 = arith.muli %add3A, %mul3A_17 : i32
    %dma_start3A_19 = arith.constant 0 : i32
    %dma_start3A_20 = arith.constant 0 : i32
    %dma_start3A_21 = arith.constant 0 : i32
    %dma_start3A_22 = tpu.memref_slice %arg7[%dma_start3A_19, %dma_start3A_20, %dma_start3A_21] : memref<2x128x128xf32, #tpu.memory_space<vmem>> -> memref<1x128x128xf32, #tpu.memory_space<vmem>>
    %dma_start3A_23 = tpu.memref_squeeze %dma_start3A_22 : memref<1x128x128xf32, #tpu.memory_space<vmem>> -> memref<128x128xf32, #tpu.memory_space<vmem>>
    %dma_start3A_24 = arith.constant 0 : i32
    %dma_start3A_25 = tpu.memref_slice %arg2[%mul3A_18, %dma_start3A_24] : memref<160000x128xf32, #tpu.memory_space<hbm>> -> memref<128x128xf32, #tpu.memory_space<hbm>>
    %dma_start3A_26 = arith.constant 0 : i32
    %dma_start3A_27 = arith.constant 0 : i32
    %dma_start3A_28 = tpu.memref_slice %arg7[%dma_start3A_19, %dma_start3A_26, %dma_start3A_27] : memref<2x128x128xf32, #tpu.memory_space<vmem>> -> memref<1x128x128xf32, #tpu.memory_space<vmem>>
    %dma_start3A_29 = tpu.memref_squeeze %dma_start3A_28 : memref<1x128x128xf32, #tpu.memory_space<vmem>> -> memref<128x128xf32, #tpu.memory_space<vmem>>
    %dma_start3A_30 = arith.constant 0 : i32
    %dma_start3A_31 = tpu.memref_slice %arg2[%mul3A_18, %dma_start3A_30] : memref<160000x128xf32, #tpu.memory_space<hbm>> -> memref<128x128xf32, #tpu.memory_space<hbm>>
    tpu.enqueue_dma source(%dma_start3A_31 : memref<128x128xf32, #tpu.memory_space<hbm>>) target(%dma_start3A_29 : memref<128x128xf32, #tpu.memory_space<vmem>>) target_semaphore(%arg11 : memref<!tpu.dma_semaphore, #tpu.memory_space<semaphore_mem>>)
    "tpu.region"() ({
      %run_scoped3A = tpu.sem_alloc : memref<!tpu.dma_semaphore, #tpu.memory_space<semaphore_mem>>
      %dma_start3A_45 = arith.constant 0 : i32
      %dma_start3A_46 = tpu.memref_slice %arg8[%multiple_of3A, %dma_start3A_45] : memref<10000x128xf32, #tpu.memory_space<vmem_shared>> -> memref<624x128xf32, #tpu.memory_space<vmem_shared>>
      %dma_start3A_47 = arith.constant 0 : i32
      %dma_start3A_48 = tpu.memref_slice %arg4[%arg0, %multiple_of3A, %dma_start3A_47] : memref<2x10000x128xf32, #tpu.memory_space<hbm>> -> memref<1x624x128xf32, #tpu.memory_space<hbm>>
      %dma_start3A_49 = tpu.memref_squeeze %dma_start3A_48 : memref<1x624x128xf32, #tpu.memory_space<hbm>> -> memref<624x128xf32, #tpu.memory_space<hbm>>
      tpu.enqueue_dma source(%dma_start3A_49 : memref<624x128xf32, #tpu.memory_space<hbm>>) target(%dma_start3A_46 : memref<624x128xf32, #tpu.memory_space<vmem_shared>>) target_semaphore(%run_scoped3A : memref<!tpu.dma_semaphore, #tpu.memory_space<semaphore_mem>>)
      %dma_wait3A = arith.constant 0 : i32
      %dma_wait3A_50 = tpu.memref_slice %arg8[%multiple_of3A, %dma_wait3A] : memref<10000x128xf32, #tpu.memory_space<vmem_shared>> -> memref<624x128xf32, #tpu.memory_space<vmem_shared>>
      %dma_wait3A_51 = arith.constant 0 : i32
      %dma_wait3A_52 = tpu.memref_slice %arg4[%arg0, %multiple_of3A, %dma_wait3A_51] : memref<2x10000x128xf32, #tpu.memory_space<hbm>> -> memref<1x624x128xf32, #tpu.memory_space<hbm>>
      %dma_wait3A_53 = tpu.memref_squeeze %dma_wait3A_52 : memref<1x624x128xf32, #tpu.memory_space<hbm>> -> memref<624x128xf32, #tpu.memory_space<hbm>>
      tpu.wait_dma2 semaphore(%run_scoped3A : memref<!tpu.dma_semaphore, #tpu.memory_space<semaphore_mem>>) src(%dma_wait3A_53 : memref<624x128xf32, #tpu.memory_space<hbm>>) dst(%dma_wait3A_50 : memref<624x128xf32, #tpu.memory_space<vmem_shared>>)
      tpu.yield
    }) : () -> ()
    %eq3A = arith.constant 0 : i32
    %eq3A_32 = arith.cmpi eq, %arg1, %eq3A : i32
    %convert_element_type3A = arith.extui %eq3A_32 : i1 to i32
    %cond3A = arith.constant 0 : i32
    %cond3A_33 = arith.cmpi ne, %convert_element_type3A, %cond3A : i32
    scf.if %cond3A_33 {
      "tpu.region"() ({
        %run_scoped3A = tpu.sem_alloc : memref<!tpu.dma_semaphore, #tpu.memory_space<semaphore_mem>>
        %dma_start3A_45 = arith.constant 9984 : i32
        %dma_start3A_46 = arith.constant 0 : i32
        %dma_start3A_47 = tpu.memref_slice %arg8[%dma_start3A_45, %dma_start3A_46] : memref<10000x128xf32, #tpu.memory_space<vmem_shared>> -> memref<16x128xf32, #tpu.memory_space<vmem_shared>>
        %dma_start3A_48 = arith.constant 9984 : i32
        %dma_start3A_49 = arith.constant 0 : i32
        %dma_start3A_50 = tpu.memref_slice %arg4[%arg0, %dma_start3A_48, %dma_start3A_49] : memref<2x10000x128xf32, #tpu.memory_space<hbm>> -> memref<1x16x128xf32, #tpu.memory_space<hbm>>
        %dma_start3A_51 = tpu.memref_squeeze %dma_start3A_50 : memref<1x16x128xf32, #tpu.memory_space<hbm>> -> memref<16x128xf32, #tpu.memory_space<hbm>>
        tpu.enqueue_dma source(%dma_start3A_51 : memref<16x128xf32, #tpu.memory_space<hbm>>) target(%dma_start3A_47 : memref<16x128xf32, #tpu.memory_space<vmem_shared>>) target_semaphore(%run_scoped3A : memref<!tpu.dma_semaphore, #tpu.memory_space<semaphore_mem>>)
        %dma_wait3A = arith.constant 9984 : i32
        %dma_wait3A_52 = arith.constant 0 : i32
        %dma_wait3A_53 = tpu.memref_slice %arg8[%dma_wait3A, %dma_wait3A_52] : memref<10000x128xf32, #tpu.memory_space<vmem_shared>> -> memref<16x128xf32, #tpu.memory_space<vmem_shared>>
        %dma_wait3A_54 = arith.constant 9984 : i32
        %dma_wait3A_55 = arith.constant 0 : i32
        %dma_wait3A_56 = tpu.memref_slice %arg4[%arg0, %dma_wait3A_54, %dma_wait3A_55] : memref<2x10000x128xf32, #tpu.memory_space<hbm>> -> memref<1x16x128xf32, #tpu.memory_space<hbm>>
        %dma_wait3A_57 = tpu.memref_squeeze %dma_wait3A_56 : memref<1x16x128xf32, #tpu.memory_space<hbm>> -> memref<16x128xf32, #tpu.memory_space<hbm>>
        tpu.wait_dma2 semaphore(%run_scoped3A : memref<!tpu.dma_semaphore, #tpu.memory_space<semaphore_mem>>) src(%dma_wait3A_57 : memref<16x128xf32, #tpu.memory_space<hbm>>) dst(%dma_wait3A_53 : memref<16x128xf32, #tpu.memory_space<vmem_shared>>)
        tpu.yield
      }) : () -> ()
    } else {
    }
    %barrier3A = arith.constant 0 : index
    tpu.barrier barrier_id(%barrier3A)
    %scan3A = arith.constant 0 : i32
    %scan3A_34 = arith.constant 0 : i32
    %scan3A_35 = arith.constant 41 : i32
    %scan3A_36 = arith.addi %scan3A_34, %scan3A_35 : i32
    %scan3A_37 = arith.constant 1 : i32
    scf.for %scan3A_45 = %scan3A_34 to %scan3A_36 step %scan3A_37  : i32 {
      %rem3A = arith.constant 2 : i32
      %rem3A_46 = arith.remsi %scan3A_45, %rem3A : i32
      %add3A_47 = arith.constant 1 : i32
      %add3A_48 = arith.addi %scan3A_45, %add3A_47 : i32
      %rem3A_49 = arith.constant 2 : i32
      %rem3A_50 = arith.remsi %add3A_48, %rem3A_49 : i32
      %add3A_51 = arith.constant 0 : i32
      %add3A_52 = arith.addi %add3A_51, %add3A : i32
      %sub3A = arith.constant 1 : i32
      %sub3A_53 = arith.subi %scan3A_45, %sub3A : i32
      %mul3A_54 = arith.constant 32 : i32
      %mul3A_55 = arith.muli %mul3A_54, %sub3A_53 : i32
      %add3A_56 = arith.addi %add3A_52, %mul3A_55 : i32
      %add3A_57 = arith.constant 0 : i32
      %add3A_58 = arith.addi %add3A_57, %add3A : i32
      %mul3A_59 = arith.constant 32 : i32
      %mul3A_60 = arith.muli %mul3A_59, %scan3A_45 : i32
      %add3A_61 = arith.addi %add3A_58, %mul3A_60 : i32
      %add3A_62 = arith.constant 0 : i32
      %add3A_63 = arith.addi %add3A_62, %add3A : i32
      %add3A_64 = arith.constant 1 : i32
      %add3A_65 = arith.addi %scan3A_45, %add3A_64 : i32
      %mul3A_66 = arith.constant 32 : i32
      %mul3A_67 = arith.muli %mul3A_66, %add3A_65 : i32
      %add3A_68 = arith.addi %add3A_63, %mul3A_67 : i32
      %ge3A = arith.constant 1 : i32
      %ge3A_69 = arith.cmpi sge, %scan3A_45, %ge3A : i32
      %lt3A = arith.constant 1250 : i32
      %lt3A_70 = arith.cmpi slt, %add3A_56, %lt3A : i32
      %and3A = arith.andi %ge3A_69, %lt3A_70 : i1
      %convert_element_type3A_71 = arith.extui %and3A : i1 to i32
      %cond3A_72 = arith.constant 0 : i32
      %cond3A_73 = arith.cmpi ne, %convert_element_type3A_71, %cond3A_72 : i32
      scf.if %cond3A_73 {
        %eq3A_84 = arith.constant 0 : i32
        %eq3A_85 = arith.cmpi eq, %rem3A_50, %eq3A_84 : i32
        %convert_element_type3A_86 = arith.extui %eq3A_85 : i1 to i32
        %cond3A_87 = arith.constant 0 : i32
        %cond3A_88 = arith.cmpi ne, %convert_element_type3A_86, %cond3A_87 : i32
        scf.if %cond3A_88 {
          %dma_wait3A = arith.constant 0 : i32
          %dma_wait3A_94 = arith.constant 0 : i32
          %dma_wait3A_95 = arith.constant 0 : i32
          %dma_wait3A_96 = arith.constant 0 : i32
          %dma_wait3A_97 = tpu.memref_slice %arg7[%dma_wait3A, %dma_wait3A_95, %dma_wait3A_96] : memref<2x128x128xf32, #tpu.memory_space<vmem>> -> memref<1x128x128xf32, #tpu.memory_space<vmem>>
          %dma_wait3A_98 = tpu.memref_squeeze %dma_wait3A_97 : memref<1x128x128xf32, #tpu.memory_space<vmem>> -> memref<128x128xf32, #tpu.memory_space<vmem>>
          %dma_wait3A_99 = arith.constant 0 : i32
          %dma_wait3A_100 = tpu.memref_slice %arg6[%dma_wait3A_94, %dma_wait3A_99] : memref<2x128xi32, #tpu.memory_space<vmem>> -> memref<1x128xi32, #tpu.memory_space<vmem>>
          %dma_wait3A_101 = tpu.memref_squeeze %dma_wait3A_100 : memref<1x128xi32, #tpu.memory_space<vmem>> -> memref<128xi32, #tpu.memory_space<vmem>>
          %dma_wait3A_102 = arith.constant 0 : i32
          %dma_wait3A_103 = arith.constant 0 : i32
          %dma_wait3A_104 = tpu.memref_slice %arg8[%dma_wait3A_102, %dma_wait3A_103] : memref<10000x128xf32, #tpu.memory_space<vmem_shared>> -> memref<10000x128xf32, #tpu.memory_space<vmem_shared>>
          tpu.wait_indirect_dma semaphore(%arg13 : memref<!tpu.dma_semaphore, #tpu.memory_space<semaphore_mem>>) src(%dma_wait3A_98 : memref<128x128xf32, #tpu.memory_space<vmem>>) dst(%dma_wait3A_104 : memref<10000x128xf32, #tpu.memory_space<vmem_shared>>)
        } else {
        }
        %eq3A_89 = arith.constant 1 : i32
        %eq3A_90 = arith.cmpi eq, %rem3A_50, %eq3A_89 : i32
        %convert_element_type3A_91 = arith.extui %eq3A_90 : i1 to i32
        %cond3A_92 = arith.constant 0 : i32
        %cond3A_93 = arith.cmpi ne, %convert_element_type3A_91, %cond3A_92 : i32
        scf.if %cond3A_93 {
          %dma_wait3A = arith.constant 1 : i32
          %dma_wait3A_94 = arith.constant 1 : i32
          %dma_wait3A_95 = arith.constant 0 : i32
          %dma_wait3A_96 = arith.constant 0 : i32
          %dma_wait3A_97 = tpu.memref_slice %arg7[%dma_wait3A, %dma_wait3A_95, %dma_wait3A_96] : memref<2x128x128xf32, #tpu.memory_space<vmem>> -> memref<1x128x128xf32, #tpu.memory_space<vmem>>
          %dma_wait3A_98 = tpu.memref_squeeze %dma_wait3A_97 : memref<1x128x128xf32, #tpu.memory_space<vmem>> -> memref<128x128xf32, #tpu.memory_space<vmem>>
          %dma_wait3A_99 = arith.constant 0 : i32
          %dma_wait3A_100 = tpu.memref_slice %arg6[%dma_wait3A_94, %dma_wait3A_99] : memref<2x128xi32, #tpu.memory_space<vmem>> -> memref<1x128xi32, #tpu.memory_space<vmem>>
          %dma_wait3A_101 = tpu.memref_squeeze %dma_wait3A_100 : memref<1x128xi32, #tpu.memory_space<vmem>> -> memref<128xi32, #tpu.memory_space<vmem>>
          %dma_wait3A_102 = arith.constant 0 : i32
          %dma_wait3A_103 = arith.constant 0 : i32
          %dma_wait3A_104 = tpu.memref_slice %arg8[%dma_wait3A_102, %dma_wait3A_103] : memref<10000x128xf32, #tpu.memory_space<vmem_shared>> -> memref<10000x128xf32, #tpu.memory_space<vmem_shared>>
          tpu.wait_indirect_dma semaphore(%arg14 : memref<!tpu.dma_semaphore, #tpu.memory_space<semaphore_mem>>) src(%dma_wait3A_98 : memref<128x128xf32, #tpu.memory_space<vmem>>) dst(%dma_wait3A_104 : memref<10000x128xf32, #tpu.memory_space<vmem_shared>>)
        } else {
        }
      } else {
      }
      %lt3A_74 = arith.constant 1250 : i32
      %lt3A_75 = arith.cmpi slt, %add3A_68, %lt3A_74 : i32
      %convert_element_type3A_76 = arith.extui %lt3A_75 : i1 to i32
      %cond3A_77 = arith.constant 0 : i32
      %cond3A_78 = arith.cmpi ne, %convert_element_type3A_76, %cond3A_77 : i32
      scf.if %cond3A_78 {
        %eq3A_84 = arith.constant 0 : i32
        %eq3A_85 = arith.cmpi eq, %rem3A_50, %eq3A_84 : i32
        %convert_element_type3A_86 = arith.extui %eq3A_85 : i1 to i32
        %cond3A_87 = arith.constant 0 : i32
        %cond3A_88 = arith.cmpi ne, %convert_element_type3A_86, %cond3A_87 : i32
        scf.if %cond3A_88 {
          %dma_start3A_94 = arith.constant 0 : i32
          %dma_start3A_95 = arith.constant 0 : i32
          %dma_start3A_96 = tpu.memref_slice %arg6[%dma_start3A_94, %dma_start3A_95] : memref<2x128xi32, #tpu.memory_space<vmem>> -> memref<1x128xi32, #tpu.memory_space<vmem>>
          %dma_start3A_97 = tpu.memref_squeeze %dma_start3A_96 : memref<1x128xi32, #tpu.memory_space<vmem>> -> memref<128xi32, #tpu.memory_space<vmem>>
          %dma_start3A_98 = arith.constant 0 : i32
          %dma_start3A_99 = tpu.memref_slice %arg3[%add3A_68, %dma_start3A_98] : memref<1250x128xi32, #tpu.memory_space<hbm>> -> memref<1x128xi32, #tpu.memory_space<hbm>>
          %dma_start3A_100 = tpu.memref_squeeze %dma_start3A_99 : memref<1x128xi32, #tpu.memory_space<hbm>> -> memref<128xi32, #tpu.memory_space<hbm>>
          %dma_start3A_101 = arith.constant 0 : i32
          %dma_start3A_102 = tpu.memref_slice %arg6[%dma_start3A_94, %dma_start3A_101] : memref<2x128xi32, #tpu.memory_space<vmem>> -> memref<1x128xi32, #tpu.memory_space<vmem>>
          %dma_start3A_103 = tpu.memref_squeeze %dma_start3A_102 : memref<1x128xi32, #tpu.memory_space<vmem>> -> memref<128xi32, #tpu.memory_space<vmem>>
          %dma_start3A_104 = arith.constant 0 : i32
          %dma_start3A_105 = tpu.memref_slice %arg3[%add3A_68, %dma_start3A_104] : memref<1250x128xi32, #tpu.memory_space<hbm>> -> memref<1x128xi32, #tpu.memory_space<hbm>>
          %dma_start3A_106 = tpu.memref_squeeze %dma_start3A_105 : memref<1x128xi32, #tpu.memory_space<hbm>> -> memref<128xi32, #tpu.memory_space<hbm>>
          tpu.enqueue_dma source(%dma_start3A_106 : memref<128xi32, #tpu.memory_space<hbm>>) target(%dma_start3A_103 : memref<128xi32, #tpu.memory_space<vmem>>) target_semaphore(%arg9 : memref<!tpu.dma_semaphore, #tpu.memory_space<semaphore_mem>>)
          %sub3A_107 = arith.constant 0 : i32
          %sub3A_108 = arith.subi %add3A_68, %sub3A_107 : i32
          %mul3A_109 = arith.constant 128 : i32
          %mul3A_110 = arith.muli %sub3A_108, %mul3A_109 : i32
          %dma_start3A_111 = arith.constant 0 : i32
          %dma_start3A_112 = arith.constant 0 : i32
          %dma_start3A_113 = arith.constant 0 : i32
          %dma_start3A_114 = tpu.memref_slice %arg7[%dma_start3A_111, %dma_start3A_112, %dma_start3A_113] : memref<2x128x128xf32, #tpu.memory_space<vmem>> -> memref<1x128x128xf32, #tpu.memory_space<vmem>>
          %dma_start3A_115 = tpu.memref_squeeze %dma_start3A_114 : memref<1x128x128xf32, #tpu.memory_space<vmem>> -> memref<128x128xf32, #tpu.memory_space<vmem>>
          %dma_start3A_116 = arith.constant 0 : i32
          %dma_start3A_117 = tpu.memref_slice %arg2[%mul3A_110, %dma_start3A_116] : memref<160000x128xf32, #tpu.memory_space<hbm>> -> memref<128x128xf32, #tpu.memory_space<hbm>>
          %dma_start3A_118 = arith.constant 0 : i32
          %dma_start3A_119 = arith.constant 0 : i32
          %dma_start3A_120 = tpu.memref_slice %arg7[%dma_start3A_111, %dma_start3A_118, %dma_start3A_119] : memref<2x128x128xf32, #tpu.memory_space<vmem>> -> memref<1x128x128xf32, #tpu.memory_space<vmem>>
          %dma_start3A_121 = tpu.memref_squeeze %dma_start3A_120 : memref<1x128x128xf32, #tpu.memory_space<vmem>> -> memref<128x128xf32, #tpu.memory_space<vmem>>
          %dma_start3A_122 = arith.constant 0 : i32
          %dma_start3A_123 = tpu.memref_slice %arg2[%mul3A_110, %dma_start3A_122] : memref<160000x128xf32, #tpu.memory_space<hbm>> -> memref<128x128xf32, #tpu.memory_space<hbm>>
          tpu.enqueue_dma source(%dma_start3A_123 : memref<128x128xf32, #tpu.memory_space<hbm>>) target(%dma_start3A_121 : memref<128x128xf32, #tpu.memory_space<vmem>>) target_semaphore(%arg11 : memref<!tpu.dma_semaphore, #tpu.memory_space<semaphore_mem>>)
        } else {
        }
        %eq3A_89 = arith.constant 1 : i32
        %eq3A_90 = arith.cmpi eq, %rem3A_50, %eq3A_89 : i32
        %convert_element_type3A_91 = arith.extui %eq3A_90 : i1 to i32
        %cond3A_92 = arith.constant 0 : i32
        %cond3A_93 = arith.cmpi ne, %convert_element_type3A_91, %cond3A_92 : i32
        scf.if %cond3A_93 {
          %dma_start3A_94 = arith.constant 1 : i32
          %dma_start3A_95 = arith.constant 0 : i32
          %dma_start3A_96 = tpu.memref_slice %arg6[%dma_start3A_94, %dma_start3A_95] : memref<2x128xi32, #tpu.memory_space<vmem>> -> memref<1x128xi32, #tpu.memory_space<vmem>>
          %dma_start3A_97 = tpu.memref_squeeze %dma_start3A_96 : memref<1x128xi32, #tpu.memory_space<vmem>> -> memref<128xi32, #tpu.memory_space<vmem>>
          %dma_start3A_98 = arith.constant 0 : i32
          %dma_start3A_99 = tpu.memref_slice %arg3[%add3A_68, %dma_start3A_98] : memref<1250x128xi32, #tpu.memory_space<hbm>> -> memref<1x128xi32, #tpu.memory_space<hbm>>
          %dma_start3A_100 = tpu.memref_squeeze %dma_start3A_99 : memref<1x128xi32, #tpu.memory_space<hbm>> -> memref<128xi32, #tpu.memory_space<hbm>>
          %dma_start3A_101 = arith.constant 0 : i32
          %dma_start3A_102 = tpu.memref_slice %arg6[%dma_start3A_94, %dma_start3A_101] : memref<2x128xi32, #tpu.memory_space<vmem>> -> memref<1x128xi32, #tpu.memory_space<vmem>>
          %dma_start3A_103 = tpu.memref_squeeze %dma_start3A_102 : memref<1x128xi32, #tpu.memory_space<vmem>> -> memref<128xi32, #tpu.memory_space<vmem>>
          %dma_start3A_104 = arith.constant 0 : i32
          %dma_start3A_105 = tpu.memref_slice %arg3[%add3A_68, %dma_start3A_104] : memref<1250x128xi32, #tpu.memory_space<hbm>> -> memref<1x128xi32, #tpu.memory_space<hbm>>
          %dma_start3A_106 = tpu.memref_squeeze %dma_start3A_105 : memref<1x128xi32, #tpu.memory_space<hbm>> -> memref<128xi32, #tpu.memory_space<hbm>>
          tpu.enqueue_dma source(%dma_start3A_106 : memref<128xi32, #tpu.memory_space<hbm>>) target(%dma_start3A_103 : memref<128xi32, #tpu.memory_space<vmem>>) target_semaphore(%arg10 : memref<!tpu.dma_semaphore, #tpu.memory_space<semaphore_mem>>)
          %sub3A_107 = arith.constant 0 : i32
          %sub3A_108 = arith.subi %add3A_68, %sub3A_107 : i32
          %mul3A_109 = arith.constant 128 : i32
          %mul3A_110 = arith.muli %sub3A_108, %mul3A_109 : i32
          %dma_start3A_111 = arith.constant 1 : i32
          %dma_start3A_112 = arith.constant 0 : i32
          %dma_start3A_113 = arith.constant 0 : i32
          %dma_start3A_114 = tpu.memref_slice %arg7[%dma_start3A_111, %dma_start3A_112, %dma_start3A_113] : memref<2x128x128xf32, #tpu.memory_space<vmem>> -> memref<1x128x128xf32, #tpu.memory_space<vmem>>
          %dma_start3A_115 = tpu.memref_squeeze %dma_start3A_114 : memref<1x128x128xf32, #tpu.memory_space<vmem>> -> memref<128x128xf32, #tpu.memory_space<vmem>>
          %dma_start3A_116 = arith.constant 0 : i32
          %dma_start3A_117 = tpu.memref_slice %arg2[%mul3A_110, %dma_start3A_116] : memref<160000x128xf32, #tpu.memory_space<hbm>> -> memref<128x128xf32, #tpu.memory_space<hbm>>
          %dma_start3A_118 = arith.constant 0 : i32
          %dma_start3A_119 = arith.constant 0 : i32
          %dma_start3A_120 = tpu.memref_slice %arg7[%dma_start3A_111, %dma_start3A_118, %dma_start3A_119] : memref<2x128x128xf32, #tpu.memory_space<vmem>> -> memref<1x128x128xf32, #tpu.memory_space<vmem>>
          %dma_start3A_121 = tpu.memref_squeeze %dma_start3A_120 : memref<1x128x128xf32, #tpu.memory_space<vmem>> -> memref<128x128xf32, #tpu.memory_space<vmem>>
          %dma_start3A_122 = arith.constant 0 : i32
          %dma_start3A_123 = tpu.memref_slice %arg2[%mul3A_110, %dma_start3A_122] : memref<160000x128xf32, #tpu.memory_space<hbm>> -> memref<128x128xf32, #tpu.memory_space<hbm>>
          tpu.enqueue_dma source(%dma_start3A_123 : memref<128x128xf32, #tpu.memory_space<hbm>>) target(%dma_start3A_121 : memref<128x128xf32, #tpu.memory_space<vmem>>) target_semaphore(%arg12 : memref<!tpu.dma_semaphore, #tpu.memory_space<semaphore_mem>>)
        } else {
        }
      } else {
      }
      %lt3A_79 = arith.constant 1250 : i32
      %lt3A_80 = arith.cmpi slt, %add3A_61, %lt3A_79 : i32
      %convert_element_type3A_81 = arith.extui %lt3A_80 : i1 to i32
      %cond3A_82 = arith.constant 0 : i32
      %cond3A_83 = arith.cmpi ne, %convert_element_type3A_81, %cond3A_82 : i32
      scf.if %cond3A_83 {
        %eq3A_84 = arith.constant 0 : i32
        %eq3A_85 = arith.cmpi eq, %rem3A_46, %eq3A_84 : i32
        %convert_element_type3A_86 = arith.extui %eq3A_85 : i1 to i32
        %cond3A_87 = arith.constant 0 : i32
        %cond3A_88 = arith.cmpi ne, %convert_element_type3A_86, %cond3A_87 : i32
        scf.if %cond3A_88 {
          %dma_wait3A = arith.constant 0 : i32
          %dma_wait3A_94 = arith.constant 0 : i32
          %dma_wait3A_95 = tpu.memref_slice %arg6[%dma_wait3A, %dma_wait3A_94] : memref<2x128xi32, #tpu.memory_space<vmem>> -> memref<1x128xi32, #tpu.memory_space<vmem>>
          %dma_wait3A_96 = tpu.memref_squeeze %dma_wait3A_95 : memref<1x128xi32, #tpu.memory_space<vmem>> -> memref<128xi32, #tpu.memory_space<vmem>>
          %dma_wait3A_97 = arith.constant 0 : i32
          %dma_wait3A_98 = tpu.memref_slice %arg3[%add3A_61, %dma_wait3A_97] : memref<1250x128xi32, #tpu.memory_space<hbm>> -> memref<1x128xi32, #tpu.memory_space<hbm>>
          %dma_wait3A_99 = tpu.memref_squeeze %dma_wait3A_98 : memref<1x128xi32, #tpu.memory_space<hbm>> -> memref<128xi32, #tpu.memory_space<hbm>>
          %dma_wait3A_100 = arith.constant 0 : i32
          %dma_wait3A_101 = tpu.memref_slice %arg6[%dma_wait3A, %dma_wait3A_100] : memref<2x128xi32, #tpu.memory_space<vmem>> -> memref<1x128xi32, #tpu.memory_space<vmem>>
          %dma_wait3A_102 = tpu.memref_squeeze %dma_wait3A_101 : memref<1x128xi32, #tpu.memory_space<vmem>> -> memref<128xi32, #tpu.memory_space<vmem>>
          %dma_wait3A_103 = arith.constant 0 : i32
          %dma_wait3A_104 = tpu.memref_slice %arg3[%add3A_61, %dma_wait3A_103] : memref<1250x128xi32, #tpu.memory_space<hbm>> -> memref<1x128xi32, #tpu.memory_space<hbm>>
          %dma_wait3A_105 = tpu.memref_squeeze %dma_wait3A_104 : memref<1x128xi32, #tpu.memory_space<hbm>> -> memref<128xi32, #tpu.memory_space<hbm>>
          tpu.wait_dma2 semaphore(%arg9 : memref<!tpu.dma_semaphore, #tpu.memory_space<semaphore_mem>>) src(%dma_wait3A_105 : memref<128xi32, #tpu.memory_space<hbm>>) dst(%dma_wait3A_102 : memref<128xi32, #tpu.memory_space<vmem>>)
          %sub3A_106 = arith.constant 0 : i32
          %sub3A_107 = arith.subi %add3A_61, %sub3A_106 : i32
          %mul3A_108 = arith.constant 128 : i32
          %mul3A_109 = arith.muli %sub3A_107, %mul3A_108 : i32
          %dma_wait3A_110 = arith.constant 0 : i32
          %dma_wait3A_111 = arith.constant 0 : i32
          %dma_wait3A_112 = arith.constant 0 : i32
          %dma_wait3A_113 = tpu.memref_slice %arg7[%dma_wait3A_110, %dma_wait3A_111, %dma_wait3A_112] : memref<2x128x128xf32, #tpu.memory_space<vmem>> -> memref<1x128x128xf32, #tpu.memory_space<vmem>>
          %dma_wait3A_114 = tpu.memref_squeeze %dma_wait3A_113 : memref<1x128x128xf32, #tpu.memory_space<vmem>> -> memref<128x128xf32, #tpu.memory_space<vmem>>
          %dma_wait3A_115 = arith.constant 0 : i32
          %dma_wait3A_116 = tpu.memref_slice %arg2[%mul3A_109, %dma_wait3A_115] : memref<160000x128xf32, #tpu.memory_space<hbm>> -> memref<128x128xf32, #tpu.memory_space<hbm>>
          %dma_wait3A_117 = arith.constant 0 : i32
          %dma_wait3A_118 = arith.constant 0 : i32
          %dma_wait3A_119 = tpu.memref_slice %arg7[%dma_wait3A_110, %dma_wait3A_117, %dma_wait3A_118] : memref<2x128x128xf32, #tpu.memory_space<vmem>> -> memref<1x128x128xf32, #tpu.memory_space<vmem>>
          %dma_wait3A_120 = tpu.memref_squeeze %dma_wait3A_119 : memref<1x128x128xf32, #tpu.memory_space<vmem>> -> memref<128x128xf32, #tpu.memory_space<vmem>>
          %dma_wait3A_121 = arith.constant 0 : i32
          %dma_wait3A_122 = tpu.memref_slice %arg2[%mul3A_109, %dma_wait3A_121] : memref<160000x128xf32, #tpu.memory_space<hbm>> -> memref<128x128xf32, #tpu.memory_space<hbm>>
          tpu.wait_dma2 semaphore(%arg11 : memref<!tpu.dma_semaphore, #tpu.memory_space<semaphore_mem>>) src(%dma_wait3A_122 : memref<128x128xf32, #tpu.memory_space<hbm>>) dst(%dma_wait3A_120 : memref<128x128xf32, #tpu.memory_space<vmem>>)
          %dma_start3A_123 = arith.constant 0 : i32
          %dma_start3A_124 = arith.constant 0 : i32
          %dma_start3A_125 = arith.constant 0 : i32
          %dma_start3A_126 = arith.constant 0 : i32
          %dma_start3A_127 = tpu.memref_slice %arg7[%dma_start3A_123, %dma_start3A_125, %dma_start3A_126] : memref<2x128x128xf32, #tpu.memory_space<vmem>> -> memref<1x128x128xf32, #tpu.memory_space<vmem>>
          %dma_start3A_128 = tpu.memref_squeeze %dma_start3A_127 : memref<1x128x128xf32, #tpu.memory_space<vmem>> -> memref<128x128xf32, #tpu.memory_space<vmem>>
          %dma_start3A_129 = arith.constant 0 : i32
          %dma_start3A_130 = tpu.memref_slice %arg6[%dma_start3A_124, %dma_start3A_129] : memref<2x128xi32, #tpu.memory_space<vmem>> -> memref<1x128xi32, #tpu.memory_space<vmem>>
          %dma_start3A_131 = tpu.memref_squeeze %dma_start3A_130 : memref<1x128xi32, #tpu.memory_space<vmem>> -> memref<128xi32, #tpu.memory_space<vmem>>
          %dma_start3A_132 = arith.constant 0 : i32
          %dma_start3A_133 = arith.constant 0 : i32
          %dma_start3A_134 = tpu.memref_slice %arg8[%dma_start3A_132, %dma_start3A_133] : memref<10000x128xf32, #tpu.memory_space<vmem_shared>> -> memref<10000x128xf32, #tpu.memory_space<vmem_shared>>
          tpu.enqueue_indirect_dma source(%dma_start3A_128 : memref<128x128xf32, #tpu.memory_space<vmem>>) target(%dma_start3A_134 : memref<10000x128xf32, #tpu.memory_space<vmem_shared>>) offsets(%dma_start3A_131 : memref<128xi32, #tpu.memory_space<vmem>>) semaphore(%arg13 : memref<!tpu.dma_semaphore, #tpu.memory_space<semaphore_mem>>) {add = true}
        } else {
        }
        %eq3A_89 = arith.constant 1 : i32
        %eq3A_90 = arith.cmpi eq, %rem3A_46, %eq3A_89 : i32
        %convert_element_type3A_91 = arith.extui %eq3A_90 : i1 to i32
        %cond3A_92 = arith.constant 0 : i32
        %cond3A_93 = arith.cmpi ne, %convert_element_type3A_91, %cond3A_92 : i32
        scf.if %cond3A_93 {
          %dma_wait3A = arith.constant 1 : i32
          %dma_wait3A_94 = arith.constant 0 : i32
          %dma_wait3A_95 = tpu.memref_slice %arg6[%dma_wait3A, %dma_wait3A_94] : memref<2x128xi32, #tpu.memory_space<vmem>> -> memref<1x128xi32, #tpu.memory_space<vmem>>
          %dma_wait3A_96 = tpu.memref_squeeze %dma_wait3A_95 : memref<1x128xi32, #tpu.memory_space<vmem>> -> memref<128xi32, #tpu.memory_space<vmem>>
          %dma_wait3A_97 = arith.constant 0 : i32
          %dma_wait3A_98 = tpu.memref_slice %arg3[%add3A_61, %dma_wait3A_97] : memref<1250x128xi32, #tpu.memory_space<hbm>> -> memref<1x128xi32, #tpu.memory_space<hbm>>
          %dma_wait3A_99 = tpu.memref_squeeze %dma_wait3A_98 : memref<1x128xi32, #tpu.memory_space<hbm>> -> memref<128xi32, #tpu.memory_space<hbm>>
          %dma_wait3A_100 = arith.constant 0 : i32
          %dma_wait3A_101 = tpu.memref_slice %arg6[%dma_wait3A, %dma_wait3A_100] : memref<2x128xi32, #tpu.memory_space<vmem>> -> memref<1x128xi32, #tpu.memory_space<vmem>>
          %dma_wait3A_102 = tpu.memref_squeeze %dma_wait3A_101 : memref<1x128xi32, #tpu.memory_space<vmem>> -> memref<128xi32, #tpu.memory_space<vmem>>
          %dma_wait3A_103 = arith.constant 0 : i32
          %dma_wait3A_104 = tpu.memref_slice %arg3[%add3A_61, %dma_wait3A_103] : memref<1250x128xi32, #tpu.memory_space<hbm>> -> memref<1x128xi32, #tpu.memory_space<hbm>>
          %dma_wait3A_105 = tpu.memref_squeeze %dma_wait3A_104 : memref<1x128xi32, #tpu.memory_space<hbm>> -> memref<128xi32, #tpu.memory_space<hbm>>
          tpu.wait_dma2 semaphore(%arg10 : memref<!tpu.dma_semaphore, #tpu.memory_space<semaphore_mem>>) src(%dma_wait3A_105 : memref<128xi32, #tpu.memory_space<hbm>>) dst(%dma_wait3A_102 : memref<128xi32, #tpu.memory_space<vmem>>)
          %sub3A_106 = arith.constant 0 : i32
          %sub3A_107 = arith.subi %add3A_61, %sub3A_106 : i32
          %mul3A_108 = arith.constant 128 : i32
          %mul3A_109 = arith.muli %sub3A_107, %mul3A_108 : i32
          %dma_wait3A_110 = arith.constant 1 : i32
          %dma_wait3A_111 = arith.constant 0 : i32
          %dma_wait3A_112 = arith.constant 0 : i32
          %dma_wait3A_113 = tpu.memref_slice %arg7[%dma_wait3A_110, %dma_wait3A_111, %dma_wait3A_112] : memref<2x128x128xf32, #tpu.memory_space<vmem>> -> memref<1x128x128xf32, #tpu.memory_space<vmem>>
          %dma_wait3A_114 = tpu.memref_squeeze %dma_wait3A_113 : memref<1x128x128xf32, #tpu.memory_space<vmem>> -> memref<128x128xf32, #tpu.memory_space<vmem>>
          %dma_wait3A_115 = arith.constant 0 : i32
          %dma_wait3A_116 = tpu.memref_slice %arg2[%mul3A_109, %dma_wait3A_115] : memref<160000x128xf32, #tpu.memory_space<hbm>> -> memref<128x128xf32, #tpu.memory_space<hbm>>
          %dma_wait3A_117 = arith.constant 0 : i32
          %dma_wait3A_118 = arith.constant 0 : i32
          %dma_wait3A_119 = tpu.memref_slice %arg7[%dma_wait3A_110, %dma_wait3A_117, %dma_wait3A_118] : memref<2x128x128xf32, #tpu.memory_space<vmem>> -> memref<1x128x128xf32, #tpu.memory_space<vmem>>
          %dma_wait3A_120 = tpu.memref_squeeze %dma_wait3A_119 : memref<1x128x128xf32, #tpu.memory_space<vmem>> -> memref<128x128xf32, #tpu.memory_space<vmem>>
          %dma_wait3A_121 = arith.constant 0 : i32
          %dma_wait3A_122 = tpu.memref_slice %arg2[%mul3A_109, %dma_wait3A_121] : memref<160000x128xf32, #tpu.memory_space<hbm>> -> memref<128x128xf32, #tpu.memory_space<hbm>>
          tpu.wait_dma2 semaphore(%arg12 : memref<!tpu.dma_semaphore, #tpu.memory_space<semaphore_mem>>) src(%dma_wait3A_122 : memref<128x128xf32, #tpu.memory_space<hbm>>) dst(%dma_wait3A_120 : memref<128x128xf32, #tpu.memory_space<vmem>>)
          %dma_start3A_123 = arith.constant 1 : i32
          %dma_start3A_124 = arith.constant 1 : i32
          %dma_start3A_125 = arith.constant 0 : i32
          %dma_start3A_126 = arith.constant 0 : i32
          %dma_start3A_127 = tpu.memref_slice %arg7[%dma_start3A_123, %dma_start3A_125, %dma_start3A_126] : memref<2x128x128xf32, #tpu.memory_space<vmem>> -> memref<1x128x128xf32, #tpu.memory_space<vmem>>
          %dma_start3A_128 = tpu.memref_squeeze %dma_start3A_127 : memref<1x128x128xf32, #tpu.memory_space<vmem>> -> memref<128x128xf32, #tpu.memory_space<vmem>>
          %dma_start3A_129 = arith.constant 0 : i32
          %dma_start3A_130 = tpu.memref_slice %arg6[%dma_start3A_124, %dma_start3A_129] : memref<2x128xi32, #tpu.memory_space<vmem>> -> memref<1x128xi32, #tpu.memory_space<vmem>>
          %dma_start3A_131 = tpu.memref_squeeze %dma_start3A_130 : memref<1x128xi32, #tpu.memory_space<vmem>> -> memref<128xi32, #tpu.memory_space<vmem>>
          %dma_start3A_132 = arith.constant 0 : i32
          %dma_start3A_133 = arith.constant 0 : i32
          %dma_start3A_134 = tpu.memref_slice %arg8[%dma_start3A_132, %dma_start3A_133] : memref<10000x128xf32, #tpu.memory_space<vmem_shared>> -> memref<10000x128xf32, #tpu.memory_space<vmem_shared>>
          tpu.enqueue_indirect_dma source(%dma_start3A_128 : memref<128x128xf32, #tpu.memory_space<vmem>>) target(%dma_start3A_134 : memref<10000x128xf32, #tpu.memory_space<vmem_shared>>) offsets(%dma_start3A_131 : memref<128xi32, #tpu.memory_space<vmem>>) semaphore(%arg14 : memref<!tpu.dma_semaphore, #tpu.memory_space<semaphore_mem>>) {add = true}
        } else {
        }
      } else {
      }
    }
    %scan3A_38 = arith.constant 41 : i32
    %barrier3A_39 = arith.constant 0 : index
    tpu.barrier barrier_id(%barrier3A_39)
    "tpu.region"() ({
      %run_scoped3A = tpu.sem_alloc : memref<!tpu.dma_semaphore, #tpu.memory_space<semaphore_mem>>
      %dma_start3A_45 = arith.constant 0 : i32
      %dma_start3A_46 = tpu.memref_slice %arg5[%arg0, %multiple_of3A, %dma_start3A_45] : memref<2x10000x128xf32, #tpu.memory_space<hbm>> -> memref<1x624x128xf32, #tpu.memory_space<hbm>>
      %dma_start3A_47 = tpu.memref_squeeze %dma_start3A_46 : memref<1x624x128xf32, #tpu.memory_space<hbm>> -> memref<624x128xf32, #tpu.memory_space<hbm>>
      %dma_start3A_48 = arith.constant 0 : i32
      %dma_start3A_49 = tpu.memref_slice %arg8[%multiple_of3A, %dma_start3A_48] : memref<10000x128xf32, #tpu.memory_space<vmem_shared>> -> memref<624x128xf32, #tpu.memory_space<vmem_shared>>
      tpu.enqueue_dma source(%dma_start3A_49 : memref<624x128xf32, #tpu.memory_space<vmem_shared>>) target(%dma_start3A_47 : memref<624x128xf32, #tpu.memory_space<hbm>>) target_semaphore(%run_scoped3A : memref<!tpu.dma_semaphore, #tpu.memory_space<semaphore_mem>>)
      %dma_wait3A = arith.constant 0 : i32
      %dma_wait3A_50 = tpu.memref_slice %arg5[%arg0, %multiple_of3A, %dma_wait3A] : memref<2x10000x128xf32, #tpu.memory_space<hbm>> -> memref<1x624x128xf32, #tpu.memory_space<hbm>>
      %dma_wait3A_51 = tpu.memref_squeeze %dma_wait3A_50 : memref<1x624x128xf32, #tpu.memory_space<hbm>> -> memref<624x128xf32, #tpu.memory_space<hbm>>
      %dma_wait3A_52 = arith.constant 0 : i32
      %dma_wait3A_53 = tpu.memref_slice %arg8[%multiple_of3A, %dma_wait3A_52] : memref<10000x128xf32, #tpu.memory_space<vmem_shared>> -> memref<624x128xf32, #tpu.memory_space<vmem_shared>>
      tpu.wait_dma2 semaphore(%run_scoped3A : memref<!tpu.dma_semaphore, #tpu.memory_space<semaphore_mem>>) src(%dma_wait3A_53 : memref<624x128xf32, #tpu.memory_space<vmem_shared>>) dst(%dma_wait3A_51 : memref<624x128xf32, #tpu.memory_space<hbm>>)
      tpu.yield
    }) : () -> ()
    %eq3A_40 = arith.constant 0 : i32
    %eq3A_41 = arith.cmpi eq, %arg1, %eq3A_40 : i32
    %convert_element_type3A_42 = arith.extui %eq3A_41 : i1 to i32
    %cond3A_43 = arith.constant 0 : i32
    %cond3A_44 = arith.cmpi ne, %convert_element_type3A_42, %cond3A_43 : i32
    scf.if %cond3A_44 {
      "tpu.region"() ({
        %run_scoped3A = tpu.sem_alloc : memref<!tpu.dma_semaphore, #tpu.memory_space<semaphore_mem>>
        %dma_start3A_45 = arith.constant 9984 : i32
        %dma_start3A_46 = arith.constant 0 : i32
        %dma_start3A_47 = tpu.memref_slice %arg5[%arg0, %dma_start3A_45, %dma_start3A_46] : memref<2x10000x128xf32, #tpu.memory_space<hbm>> -> memref<1x16x128xf32, #tpu.memory_space<hbm>>
        %dma_start3A_48 = tpu.memref_squeeze %dma_start3A_47 : memref<1x16x128xf32, #tpu.memory_space<hbm>> -> memref<16x128xf32, #tpu.memory_space<hbm>>
        %dma_start3A_49 = arith.constant 9984 : i32
        %dma_start3A_50 = arith.constant 0 : i32
        %dma_start3A_51 = tpu.memref_slice %arg8[%dma_start3A_49, %dma_start3A_50] : memref<10000x128xf32, #tpu.memory_space<vmem_shared>> -> memref<16x128xf32, #tpu.memory_space<vmem_shared>>
        tpu.enqueue_dma source(%dma_start3A_51 : memref<16x128xf32, #tpu.memory_space<vmem_shared>>) target(%dma_start3A_48 : memref<16x128xf32, #tpu.memory_space<hbm>>) target_semaphore(%run_scoped3A : memref<!tpu.dma_semaphore, #tpu.memory_space<semaphore_mem>>)
        %dma_wait3A = arith.constant 9984 : i32
        %dma_wait3A_52 = arith.constant 0 : i32
        %dma_wait3A_53 = tpu.memref_slice %arg5[%arg0, %dma_wait3A, %dma_wait3A_52] : memref<2x10000x128xf32, #tpu.memory_space<hbm>> -> memref<1x16x128xf32, #tpu.memory_space<hbm>>
        %dma_wait3A_54 = tpu.memref_squeeze %dma_wait3A_53 : memref<1x16x128xf32, #tpu.memory_space<hbm>> -> memref<16x128xf32, #tpu.memory_space<hbm>>
        %dma_wait3A_55 = arith.constant 9984 : i32
        %dma_wait3A_56 = arith.constant 0 : i32
        %dma_wait3A_57 = tpu.memref_slice %arg8[%dma_wait3A_55, %dma_wait3A_56] : memref<10000x128xf32, #tpu.memory_space<vmem_shared>> -> memref<16x128xf32, #tpu.memory_space<vmem_shared>>
        tpu.wait_dma2 semaphore(%run_scoped3A : memref<!tpu.dma_semaphore, #tpu.memory_space<semaphore_mem>>) src(%dma_wait3A_57 : memref<16x128xf32, #tpu.memory_space<vmem_shared>>) dst(%dma_wait3A_54 : memref<16x128xf32, #tpu.memory_space<hbm>>)
        tpu.yield
      }) : () -> ()
    } else {
    }
    return
  }
}

#map = affine_map<(d0, d1) -> (0, 0)>
#map1 = affine_map<(d0, d1) -> (0, 0, 0)>
module attributes {stable_mosaic.version = 14 : i64} {
  func.func @sc_gather_0(%arg0: i32, %arg1: i32, %arg2: memref<10000x128xf32, #tpu.memory_space<hbm>>, %arg3: memref<10000x128xf32, #tpu.memory_space<hbm>>, %arg4: memref<1250x2x128xi32, #tpu.memory_space<hbm>>, %arg5: memref<160000x128xf32, #tpu.memory_space<hbm>>, %arg6: memref<2x2x128xi32, #tpu.memory_space<vmem>>, %arg7: memref<2x128x128xf32, #tpu.memory_space<vmem>>, %arg8: memref<2x128x128xf32, #tpu.memory_space<vmem>>, %arg9: memref<!tpu.dma_semaphore, #tpu.memory_space<semaphore_mem>>, %arg10: memref<!tpu.dma_semaphore, #tpu.memory_space<semaphore_mem>>, %arg11: memref<!tpu.dma_semaphore, #tpu.memory_space<semaphore_mem>>, %arg12: memref<!tpu.dma_semaphore, #tpu.memory_space<semaphore_mem>>, %arg13: memref<!tpu.dma_semaphore, #tpu.memory_space<semaphore_mem>>, %arg14: memref<!tpu.dma_semaphore, #tpu.memory_space<semaphore_mem>>, %arg15: memref<!tpu.dma_semaphore, #tpu.memory_space<semaphore_mem>>, %arg16: memref<!tpu.dma_semaphore, #tpu.memory_space<semaphore_mem>>) attributes {dimension_semantics = [#tpu.dimension_semantics<core_parallel>, #tpu.dimension_semantics<subcore_parallel>], iteration_bounds = array<i64: 2, 16>, scalar_prefetch = 0 : i64, scratch_operands = 11 : i64, tpu.core_type = #tpu.core_type<sc_vector_subcore>, window_params = [{transform_indices = #map}, {transform_indices = #map}, {transform_indices = #map1}, {transform_indices = #map}]} {
    %mul3A = arith.constant 2 : i32
    %mul3A_0 = arith.muli %arg1, %mul3A : i32
    %add3A = arith.addi %mul3A_0, %arg0 : i32
    %add3A_1 = arith.constant 0 : i32
    %add3A_2 = arith.addi %add3A_1, %add3A : i32
    %dma_start3A = arith.constant 0 : i32
    %dma_start3A_3 = arith.constant 0 : i32
    %dma_start3A_4 = arith.constant 0 : i32
    %dma_start3A_5 = tpu.memref_slice %arg6[%dma_start3A, %dma_start3A_3, %dma_start3A_4] : memref<2x2x128xi32, #tpu.memory_space<vmem>> -> memref<1x2x128xi32, #tpu.memory_space<vmem>>
    %dma_start3A_6 = tpu.memref_squeeze %dma_start3A_5 : memref<1x2x128xi32, #tpu.memory_space<vmem>> -> memref<2x128xi32, #tpu.memory_space<vmem>>
    %dma_start3A_7 = arith.constant 0 : i32
    %dma_start3A_8 = arith.constant 0 : i32
    %dma_start3A_9 = tpu.memref_slice %arg4[%add3A_2, %dma_start3A_7, %dma_start3A_8] : memref<1250x2x128xi32, #tpu.memory_space<hbm>> -> memref<1x2x128xi32, #tpu.memory_space<hbm>>
    %dma_start3A_10 = tpu.memref_squeeze %dma_start3A_9 : memref<1x2x128xi32, #tpu.memory_space<hbm>> -> memref<2x128xi32, #tpu.memory_space<hbm>>
    %dma_start3A_11 = arith.constant 0 : i32
    %dma_start3A_12 = arith.constant 0 : i32
    %dma_start3A_13 = tpu.memref_slice %arg6[%dma_start3A, %dma_start3A_11, %dma_start3A_12] : memref<2x2x128xi32, #tpu.memory_space<vmem>> -> memref<1x2x128xi32, #tpu.memory_space<vmem>>
    %dma_start3A_14 = tpu.memref_squeeze %dma_start3A_13 : memref<1x2x128xi32, #tpu.memory_space<vmem>> -> memref<2x128xi32, #tpu.memory_space<vmem>>
    %dma_start3A_15 = arith.constant 0 : i32
    %dma_start3A_16 = arith.constant 0 : i32
    %dma_start3A_17 = tpu.memref_slice %arg4[%add3A_2, %dma_start3A_15, %dma_start3A_16] : memref<1250x2x128xi32, #tpu.memory_space<hbm>> -> memref<1x2x128xi32, #tpu.memory_space<hbm>>
    %dma_start3A_18 = tpu.memref_squeeze %dma_start3A_17 : memref<1x2x128xi32, #tpu.memory_space<hbm>> -> memref<2x128xi32, #tpu.memory_space<hbm>>
    tpu.enqueue_dma source(%dma_start3A_18 : memref<2x128xi32, #tpu.memory_space<hbm>>) target(%dma_start3A_14 : memref<2x128xi32, #tpu.memory_space<vmem>>) target_semaphore(%arg9 : memref<!tpu.dma_semaphore, #tpu.memory_space<semaphore_mem>>)
    %scan3A = arith.constant 0 : i32
    %scan3A_19 = arith.constant 0 : i32
    %scan3A_20 = arith.constant 42 : i32
    %scan3A_21 = arith.addi %scan3A_19, %scan3A_20 : i32
    %scan3A_22 = arith.constant 1 : i32
    scf.for %scan3A_24 = %scan3A_19 to %scan3A_21 step %scan3A_22  : i32 {
      %rem3A = arith.constant 2 : i32
      %rem3A_25 = arith.remsi %scan3A_24, %rem3A : i32
      %add3A_26 = arith.constant 1 : i32
      %add3A_27 = arith.addi %scan3A_24, %add3A_26 : i32
      %rem3A_28 = arith.constant 2 : i32
      %rem3A_29 = arith.remsi %add3A_27, %rem3A_28 : i32
      %add3A_30 = arith.constant 0 : i32
      %add3A_31 = arith.addi %add3A_30, %add3A : i32
      %sub3A = arith.constant 1 : i32
      %sub3A_32 = arith.subi %scan3A_24, %sub3A : i32
      %mul3A_33 = arith.constant 32 : i32
      %mul3A_34 = arith.muli %mul3A_33, %sub3A_32 : i32
      %add3A_35 = arith.addi %add3A_31, %mul3A_34 : i32
      %add3A_36 = arith.constant 0 : i32
      %add3A_37 = arith.addi %add3A_36, %add3A : i32
      %mul3A_38 = arith.constant 32 : i32
      %mul3A_39 = arith.muli %mul3A_38, %scan3A_24 : i32
      %add3A_40 = arith.addi %add3A_37, %mul3A_39 : i32
      %add3A_41 = arith.constant 0 : i32
      %add3A_42 = arith.addi %add3A_41, %add3A : i32
      %add3A_43 = arith.constant 1 : i32
      %add3A_44 = arith.addi %scan3A_24, %add3A_43 : i32
      %mul3A_45 = arith.constant 32 : i32
      %mul3A_46 = arith.muli %mul3A_45, %add3A_44 : i32
      %add3A_47 = arith.addi %add3A_42, %mul3A_46 : i32
      %add3A_48 = arith.constant 0 : i32
      %add3A_49 = arith.addi %add3A_48, %add3A : i32
      %sub3A_50 = arith.constant 2 : i32
      %sub3A_51 = arith.subi %scan3A_24, %sub3A_50 : i32
      %mul3A_52 = arith.constant 32 : i32
      %mul3A_53 = arith.muli %mul3A_52, %sub3A_51 : i32
      %add3A_54 = arith.addi %add3A_49, %mul3A_53 : i32
      %ge3A = arith.constant 1 : i32
      %ge3A_55 = arith.cmpi sge, %scan3A_24, %ge3A : i32
      %lt3A = arith.constant 1250 : i32
      %lt3A_56 = arith.cmpi slt, %add3A_35, %lt3A : i32
      %and3A = arith.andi %ge3A_55, %lt3A_56 : i1
      %convert_element_type3A = arith.extui %and3A : i1 to i32
      %cond3A = arith.constant 0 : i32
      %cond3A_57 = arith.cmpi ne, %convert_element_type3A, %cond3A : i32
      scf.if %cond3A_57 {
        %eq3A_80 = arith.constant 0 : i32
        %eq3A_81 = arith.cmpi eq, %rem3A_29, %eq3A_80 : i32
        %convert_element_type3A_82 = arith.extui %eq3A_81 : i1 to i32
        %cond3A_83 = arith.constant 0 : i32
        %cond3A_84 = arith.cmpi ne, %convert_element_type3A_82, %cond3A_83 : i32
        scf.if %cond3A_84 {
          %dma_wait3A = arith.constant 0 : i32
          %dma_wait3A_90 = arith.constant 0 : i32
          %dma_wait3A_91 = arith.constant 0 : i32
          %dma_wait3A_92 = arith.constant 0 : i32
          %dma_wait3A_93 = arith.constant 0 : i32
          %dma_wait3A_94 = tpu.memref_slice %arg7[%dma_wait3A_91, %dma_wait3A_92, %dma_wait3A_93] : memref<2x128x128xf32, #tpu.memory_space<vmem>> -> memref<1x128x128xf32, #tpu.memory_space<vmem>>
          %dma_wait3A_95 = tpu.memref_squeeze %dma_wait3A_94 : memref<1x128x128xf32, #tpu.memory_space<vmem>> -> memref<128x128xf32, #tpu.memory_space<vmem>>
          %dma_wait3A_96 = arith.constant 0 : i32
          %dma_wait3A_97 = tpu.memref_slice %arg6[%dma_wait3A, %dma_wait3A_90, %dma_wait3A_96] : memref<2x2x128xi32, #tpu.memory_space<vmem>> -> memref<1x1x128xi32, #tpu.memory_space<vmem>>
          %dma_wait3A_98 = tpu.memref_squeeze %dma_wait3A_97 : memref<1x1x128xi32, #tpu.memory_space<vmem>> -> memref<128xi32, #tpu.memory_space<vmem>>
          %dma_wait3A_99 = arith.constant 0 : i32
          %dma_wait3A_100 = arith.constant 0 : i32
          %dma_wait3A_101 = tpu.memref_slice %arg2[%dma_wait3A_99, %dma_wait3A_100] : memref<10000x128xf32, #tpu.memory_space<hbm>> -> memref<10000x128xf32, #tpu.memory_space<hbm>>
          tpu.wait_indirect_dma semaphore(%arg11 : memref<!tpu.dma_semaphore, #tpu.memory_space<semaphore_mem>>) src(%dma_wait3A_101 : memref<10000x128xf32, #tpu.memory_space<hbm>>) dst(%dma_wait3A_95 : memref<128x128xf32, #tpu.memory_space<vmem>>)
          %dma_wait3A_102 = arith.constant 0 : i32
          %dma_wait3A_103 = arith.constant 1 : i32
          %dma_wait3A_104 = arith.constant 0 : i32
          %dma_wait3A_105 = arith.constant 0 : i32
          %dma_wait3A_106 = arith.constant 0 : i32
          %dma_wait3A_107 = tpu.memref_slice %arg8[%dma_wait3A_104, %dma_wait3A_105, %dma_wait3A_106] : memref<2x128x128xf32, #tpu.memory_space<vmem>> -> memref<1x128x128xf32, #tpu.memory_space<vmem>>
          %dma_wait3A_108 = tpu.memref_squeeze %dma_wait3A_107 : memref<1x128x128xf32, #tpu.memory_space<vmem>> -> memref<128x128xf32, #tpu.memory_space<vmem>>
          %dma_wait3A_109 = arith.constant 0 : i32
          %dma_wait3A_110 = tpu.memref_slice %arg6[%dma_wait3A_102, %dma_wait3A_103, %dma_wait3A_109] : memref<2x2x128xi32, #tpu.memory_space<vmem>> -> memref<1x1x128xi32, #tpu.memory_space<vmem>>
          %dma_wait3A_111 = tpu.memref_squeeze %dma_wait3A_110 : memref<1x1x128xi32, #tpu.memory_space<vmem>> -> memref<128xi32, #tpu.memory_space<vmem>>
          %dma_wait3A_112 = arith.constant 0 : i32
          %dma_wait3A_113 = arith.constant 0 : i32
          %dma_wait3A_114 = tpu.memref_slice %arg3[%dma_wait3A_112, %dma_wait3A_113] : memref<10000x128xf32, #tpu.memory_space<hbm>> -> memref<10000x128xf32, #tpu.memory_space<hbm>>
          tpu.wait_indirect_dma semaphore(%arg13 : memref<!tpu.dma_semaphore, #tpu.memory_space<semaphore_mem>>) src(%dma_wait3A_114 : memref<10000x128xf32, #tpu.memory_space<hbm>>) dst(%dma_wait3A_108 : memref<128x128xf32, #tpu.memory_space<vmem>>)
        } else {
        }
        %eq3A_85 = arith.constant 1 : i32
        %eq3A_86 = arith.cmpi eq, %rem3A_29, %eq3A_85 : i32
        %convert_element_type3A_87 = arith.extui %eq3A_86 : i1 to i32
        %cond3A_88 = arith.constant 0 : i32
        %cond3A_89 = arith.cmpi ne, %convert_element_type3A_87, %cond3A_88 : i32
        scf.if %cond3A_89 {
          %dma_wait3A = arith.constant 1 : i32
          %dma_wait3A_90 = arith.constant 0 : i32
          %dma_wait3A_91 = arith.constant 1 : i32
          %dma_wait3A_92 = arith.constant 0 : i32
          %dma_wait3A_93 = arith.constant 0 : i32
          %dma_wait3A_94 = tpu.memref_slice %arg7[%dma_wait3A_91, %dma_wait3A_92, %dma_wait3A_93] : memref<2x128x128xf32, #tpu.memory_space<vmem>> -> memref<1x128x128xf32, #tpu.memory_space<vmem>>
          %dma_wait3A_95 = tpu.memref_squeeze %dma_wait3A_94 : memref<1x128x128xf32, #tpu.memory_space<vmem>> -> memref<128x128xf32, #tpu.memory_space<vmem>>
          %dma_wait3A_96 = arith.constant 0 : i32
          %dma_wait3A_97 = tpu.memref_slice %arg6[%dma_wait3A, %dma_wait3A_90, %dma_wait3A_96] : memref<2x2x128xi32, #tpu.memory_space<vmem>> -> memref<1x1x128xi32, #tpu.memory_space<vmem>>
          %dma_wait3A_98 = tpu.memref_squeeze %dma_wait3A_97 : memref<1x1x128xi32, #tpu.memory_space<vmem>> -> memref<128xi32, #tpu.memory_space<vmem>>
          %dma_wait3A_99 = arith.constant 0 : i32
          %dma_wait3A_100 = arith.constant 0 : i32
          %dma_wait3A_101 = tpu.memref_slice %arg2[%dma_wait3A_99, %dma_wait3A_100] : memref<10000x128xf32, #tpu.memory_space<hbm>> -> memref<10000x128xf32, #tpu.memory_space<hbm>>
          tpu.wait_indirect_dma semaphore(%arg12 : memref<!tpu.dma_semaphore, #tpu.memory_space<semaphore_mem>>) src(%dma_wait3A_101 : memref<10000x128xf32, #tpu.memory_space<hbm>>) dst(%dma_wait3A_95 : memref<128x128xf32, #tpu.memory_space<vmem>>)
          %dma_wait3A_102 = arith.constant 1 : i32
          %dma_wait3A_103 = arith.constant 1 : i32
          %dma_wait3A_104 = arith.constant 1 : i32
          %dma_wait3A_105 = arith.constant 0 : i32
          %dma_wait3A_106 = arith.constant 0 : i32
          %dma_wait3A_107 = tpu.memref_slice %arg8[%dma_wait3A_104, %dma_wait3A_105, %dma_wait3A_106] : memref<2x128x128xf32, #tpu.memory_space<vmem>> -> memref<1x128x128xf32, #tpu.memory_space<vmem>>
          %dma_wait3A_108 = tpu.memref_squeeze %dma_wait3A_107 : memref<1x128x128xf32, #tpu.memory_space<vmem>> -> memref<128x128xf32, #tpu.memory_space<vmem>>
          %dma_wait3A_109 = arith.constant 0 : i32
          %dma_wait3A_110 = tpu.memref_slice %arg6[%dma_wait3A_102, %dma_wait3A_103, %dma_wait3A_109] : memref<2x2x128xi32, #tpu.memory_space<vmem>> -> memref<1x1x128xi32, #tpu.memory_space<vmem>>
          %dma_wait3A_111 = tpu.memref_squeeze %dma_wait3A_110 : memref<1x1x128xi32, #tpu.memory_space<vmem>> -> memref<128xi32, #tpu.memory_space<vmem>>
          %dma_wait3A_112 = arith.constant 0 : i32
          %dma_wait3A_113 = arith.constant 0 : i32
          %dma_wait3A_114 = tpu.memref_slice %arg3[%dma_wait3A_112, %dma_wait3A_113] : memref<10000x128xf32, #tpu.memory_space<hbm>> -> memref<10000x128xf32, #tpu.memory_space<hbm>>
          tpu.wait_indirect_dma semaphore(%arg14 : memref<!tpu.dma_semaphore, #tpu.memory_space<semaphore_mem>>) src(%dma_wait3A_114 : memref<10000x128xf32, #tpu.memory_space<hbm>>) dst(%dma_wait3A_108 : memref<128x128xf32, #tpu.memory_space<vmem>>)
        } else {
        }
      } else {
      }
      %lt3A_58 = arith.constant 1250 : i32
      %lt3A_59 = arith.cmpi slt, %add3A_47, %lt3A_58 : i32
      %convert_element_type3A_60 = arith.extui %lt3A_59 : i1 to i32
      %cond3A_61 = arith.constant 0 : i32
      %cond3A_62 = arith.cmpi ne, %convert_element_type3A_60, %cond3A_61 : i32
      scf.if %cond3A_62 {
        %eq3A_80 = arith.constant 0 : i32
        %eq3A_81 = arith.cmpi eq, %rem3A_29, %eq3A_80 : i32
        %convert_element_type3A_82 = arith.extui %eq3A_81 : i1 to i32
        %cond3A_83 = arith.constant 0 : i32
        %cond3A_84 = arith.cmpi ne, %convert_element_type3A_82, %cond3A_83 : i32
        scf.if %cond3A_84 {
          %dma_start3A_90 = arith.constant 0 : i32
          %dma_start3A_91 = arith.constant 0 : i32
          %dma_start3A_92 = arith.constant 0 : i32
          %dma_start3A_93 = tpu.memref_slice %arg6[%dma_start3A_90, %dma_start3A_91, %dma_start3A_92] : memref<2x2x128xi32, #tpu.memory_space<vmem>> -> memref<1x2x128xi32, #tpu.memory_space<vmem>>
          %dma_start3A_94 = tpu.memref_squeeze %dma_start3A_93 : memref<1x2x128xi32, #tpu.memory_space<vmem>> -> memref<2x128xi32, #tpu.memory_space<vmem>>
          %dma_start3A_95 = arith.constant 0 : i32
          %dma_start3A_96 = arith.constant 0 : i32
          %dma_start3A_97 = tpu.memref_slice %arg4[%add3A_47, %dma_start3A_95, %dma_start3A_96] : memref<1250x2x128xi32, #tpu.memory_space<hbm>> -> memref<1x2x128xi32, #tpu.memory_space<hbm>>
          %dma_start3A_98 = tpu.memref_squeeze %dma_start3A_97 : memref<1x2x128xi32, #tpu.memory_space<hbm>> -> memref<2x128xi32, #tpu.memory_space<hbm>>
          %dma_start3A_99 = arith.constant 0 : i32
          %dma_start3A_100 = arith.constant 0 : i32
          %dma_start3A_101 = tpu.memref_slice %arg6[%dma_start3A_90, %dma_start3A_99, %dma_start3A_100] : memref<2x2x128xi32, #tpu.memory_space<vmem>> -> memref<1x2x128xi32, #tpu.memory_space<vmem>>
          %dma_start3A_102 = tpu.memref_squeeze %dma_start3A_101 : memref<1x2x128xi32, #tpu.memory_space<vmem>> -> memref<2x128xi32, #tpu.memory_space<vmem>>
          %dma_start3A_103 = arith.constant 0 : i32
          %dma_start3A_104 = arith.constant 0 : i32
          %dma_start3A_105 = tpu.memref_slice %arg4[%add3A_47, %dma_start3A_103, %dma_start3A_104] : memref<1250x2x128xi32, #tpu.memory_space<hbm>> -> memref<1x2x128xi32, #tpu.memory_space<hbm>>
          %dma_start3A_106 = tpu.memref_squeeze %dma_start3A_105 : memref<1x2x128xi32, #tpu.memory_space<hbm>> -> memref<2x128xi32, #tpu.memory_space<hbm>>
          tpu.enqueue_dma source(%dma_start3A_106 : memref<2x128xi32, #tpu.memory_space<hbm>>) target(%dma_start3A_102 : memref<2x128xi32, #tpu.memory_space<vmem>>) target_semaphore(%arg9 : memref<!tpu.dma_semaphore, #tpu.memory_space<semaphore_mem>>)
        } else {
        }
        %eq3A_85 = arith.constant 1 : i32
        %eq3A_86 = arith.cmpi eq, %rem3A_29, %eq3A_85 : i32
        %convert_element_type3A_87 = arith.extui %eq3A_86 : i1 to i32
        %cond3A_88 = arith.constant 0 : i32
        %cond3A_89 = arith.cmpi ne, %convert_element_type3A_87, %cond3A_88 : i32
        scf.if %cond3A_89 {
          %dma_start3A_90 = arith.constant 1 : i32
          %dma_start3A_91 = arith.constant 0 : i32
          %dma_start3A_92 = arith.constant 0 : i32
          %dma_start3A_93 = tpu.memref_slice %arg6[%dma_start3A_90, %dma_start3A_91, %dma_start3A_92] : memref<2x2x128xi32, #tpu.memory_space<vmem>> -> memref<1x2x128xi32, #tpu.memory_space<vmem>>
          %dma_start3A_94 = tpu.memref_squeeze %dma_start3A_93 : memref<1x2x128xi32, #tpu.memory_space<vmem>> -> memref<2x128xi32, #tpu.memory_space<vmem>>
          %dma_start3A_95 = arith.constant 0 : i32
          %dma_start3A_96 = arith.constant 0 : i32
          %dma_start3A_97 = tpu.memref_slice %arg4[%add3A_47, %dma_start3A_95, %dma_start3A_96] : memref<1250x2x128xi32, #tpu.memory_space<hbm>> -> memref<1x2x128xi32, #tpu.memory_space<hbm>>
          %dma_start3A_98 = tpu.memref_squeeze %dma_start3A_97 : memref<1x2x128xi32, #tpu.memory_space<hbm>> -> memref<2x128xi32, #tpu.memory_space<hbm>>
          %dma_start3A_99 = arith.constant 0 : i32
          %dma_start3A_100 = arith.constant 0 : i32
          %dma_start3A_101 = tpu.memref_slice %arg6[%dma_start3A_90, %dma_start3A_99, %dma_start3A_100] : memref<2x2x128xi32, #tpu.memory_space<vmem>> -> memref<1x2x128xi32, #tpu.memory_space<vmem>>
          %dma_start3A_102 = tpu.memref_squeeze %dma_start3A_101 : memref<1x2x128xi32, #tpu.memory_space<vmem>> -> memref<2x128xi32, #tpu.memory_space<vmem>>
          %dma_start3A_103 = arith.constant 0 : i32
          %dma_start3A_104 = arith.constant 0 : i32
          %dma_start3A_105 = tpu.memref_slice %arg4[%add3A_47, %dma_start3A_103, %dma_start3A_104] : memref<1250x2x128xi32, #tpu.memory_space<hbm>> -> memref<1x2x128xi32, #tpu.memory_space<hbm>>
          %dma_start3A_106 = tpu.memref_squeeze %dma_start3A_105 : memref<1x2x128xi32, #tpu.memory_space<hbm>> -> memref<2x128xi32, #tpu.memory_space<hbm>>
          tpu.enqueue_dma source(%dma_start3A_106 : memref<2x128xi32, #tpu.memory_space<hbm>>) target(%dma_start3A_102 : memref<2x128xi32, #tpu.memory_space<vmem>>) target_semaphore(%arg10 : memref<!tpu.dma_semaphore, #tpu.memory_space<semaphore_mem>>)
        } else {
        }
      } else {
      }
      %eq3A = arith.constant 0 : i32
      %eq3A_63 = arith.cmpi eq, %rem3A_25, %eq3A : i32
      %convert_element_type3A_64 = arith.extui %eq3A_63 : i1 to i32
      %cond3A_65 = arith.constant 0 : i32
      %cond3A_66 = arith.cmpi ne, %convert_element_type3A_64, %cond3A_65 : i32
      scf.if %cond3A_66 {
        %ge3A_80 = arith.constant 2 : i32
        %ge3A_81 = arith.cmpi sge, %scan3A_24, %ge3A_80 : i32
        %lt3A_82 = arith.constant 1250 : i32
        %lt3A_83 = arith.cmpi slt, %add3A_54, %lt3A_82 : i32
        %and3A_84 = arith.andi %ge3A_81, %lt3A_83 : i1
        %convert_element_type3A_85 = arith.extui %and3A_84 : i1 to i32
        %cond3A_86 = arith.constant 0 : i32
        %cond3A_87 = arith.cmpi ne, %convert_element_type3A_85, %cond3A_86 : i32
        scf.if %cond3A_87 {
          %sub3A_93 = arith.constant 0 : i32
          %sub3A_94 = arith.subi %add3A_54, %sub3A_93 : i32
          %mul3A_95 = arith.constant 128 : i32
          %mul3A_96 = arith.muli %sub3A_94, %mul3A_95 : i32
          %dma_wait3A = arith.constant 0 : i32
          %dma_wait3A_97 = arith.constant 0 : i32
          %dma_wait3A_98 = arith.constant 0 : i32
          %dma_wait3A_99 = tpu.memref_slice %arg7[%dma_wait3A, %dma_wait3A_97, %dma_wait3A_98] : memref<2x128x128xf32, #tpu.memory_space<vmem>> -> memref<1x128x128xf32, #tpu.memory_space<vmem>>
          %dma_wait3A_100 = tpu.memref_squeeze %dma_wait3A_99 : memref<1x128x128xf32, #tpu.memory_space<vmem>> -> memref<128x128xf32, #tpu.memory_space<vmem>>
          %dma_wait3A_101 = arith.constant 0 : i32
          %dma_wait3A_102 = tpu.memref_slice %arg5[%mul3A_96, %dma_wait3A_101] : memref<160000x128xf32, #tpu.memory_space<hbm>> -> memref<128x128xf32, #tpu.memory_space<hbm>>
          %dma_wait3A_103 = arith.constant 0 : i32
          %dma_wait3A_104 = tpu.memref_slice %arg5[%mul3A_96, %dma_wait3A_103] : memref<160000x128xf32, #tpu.memory_space<hbm>> -> memref<128x128xf32, #tpu.memory_space<hbm>>
          %dma_wait3A_105 = arith.constant 0 : i32
          %dma_wait3A_106 = arith.constant 0 : i32
          %dma_wait3A_107 = tpu.memref_slice %arg7[%dma_wait3A, %dma_wait3A_105, %dma_wait3A_106] : memref<2x128x128xf32, #tpu.memory_space<vmem>> -> memref<1x128x128xf32, #tpu.memory_space<vmem>>
          %dma_wait3A_108 = tpu.memref_squeeze %dma_wait3A_107 : memref<1x128x128xf32, #tpu.memory_space<vmem>> -> memref<128x128xf32, #tpu.memory_space<vmem>>
          tpu.wait_dma2 semaphore(%arg15 : memref<!tpu.dma_semaphore, #tpu.memory_space<semaphore_mem>>) src(%dma_wait3A_108 : memref<128x128xf32, #tpu.memory_space<vmem>>) dst(%dma_wait3A_104 : memref<128x128xf32, #tpu.memory_space<hbm>>)
        } else {
        }
        %lt3A_88 = arith.constant 1250 : i32
        %lt3A_89 = arith.cmpi slt, %add3A_40, %lt3A_88 : i32
        %convert_element_type3A_90 = arith.extui %lt3A_89 : i1 to i32
        %cond3A_91 = arith.constant 0 : i32
        %cond3A_92 = arith.cmpi ne, %convert_element_type3A_90, %cond3A_91 : i32
        scf.if %cond3A_92 {
          %dma_wait3A = arith.constant 0 : i32
          %dma_wait3A_93 = arith.constant 0 : i32
          %dma_wait3A_94 = arith.constant 0 : i32
          %dma_wait3A_95 = tpu.memref_slice %arg6[%dma_wait3A, %dma_wait3A_93, %dma_wait3A_94] : memref<2x2x128xi32, #tpu.memory_space<vmem>> -> memref<1x2x128xi32, #tpu.memory_space<vmem>>
          %dma_wait3A_96 = tpu.memref_squeeze %dma_wait3A_95 : memref<1x2x128xi32, #tpu.memory_space<vmem>> -> memref<2x128xi32, #tpu.memory_space<vmem>>
          %dma_wait3A_97 = arith.constant 0 : i32
          %dma_wait3A_98 = arith.constant 0 : i32
          %dma_wait3A_99 = tpu.memref_slice %arg4[%add3A_40, %dma_wait3A_97, %dma_wait3A_98] : memref<1250x2x128xi32, #tpu.memory_space<hbm>> -> memref<1x2x128xi32, #tpu.memory_space<hbm>>
          %dma_wait3A_100 = tpu.memref_squeeze %dma_wait3A_99 : memref<1x2x128xi32, #tpu.memory_space<hbm>> -> memref<2x128xi32, #tpu.memory_space<hbm>>
          %dma_wait3A_101 = arith.constant 0 : i32
          %dma_wait3A_102 = arith.constant 0 : i32
          %dma_wait3A_103 = tpu.memref_slice %arg6[%dma_wait3A, %dma_wait3A_101, %dma_wait3A_102] : memref<2x2x128xi32, #tpu.memory_space<vmem>> -> memref<1x2x128xi32, #tpu.memory_space<vmem>>
          %dma_wait3A_104 = tpu.memref_squeeze %dma_wait3A_103 : memref<1x2x128xi32, #tpu.memory_space<vmem>> -> memref<2x128xi32, #tpu.memory_space<vmem>>
          %dma_wait3A_105 = arith.constant 0 : i32
          %dma_wait3A_106 = arith.constant 0 : i32
          %dma_wait3A_107 = tpu.memref_slice %arg4[%add3A_40, %dma_wait3A_105, %dma_wait3A_106] : memref<1250x2x128xi32, #tpu.memory_space<hbm>> -> memref<1x2x128xi32, #tpu.memory_space<hbm>>
          %dma_wait3A_108 = tpu.memref_squeeze %dma_wait3A_107 : memref<1x2x128xi32, #tpu.memory_space<hbm>> -> memref<2x128xi32, #tpu.memory_space<hbm>>
          tpu.wait_dma2 semaphore(%arg9 : memref<!tpu.dma_semaphore, #tpu.memory_space<semaphore_mem>>) src(%dma_wait3A_108 : memref<2x128xi32, #tpu.memory_space<hbm>>) dst(%dma_wait3A_104 : memref<2x128xi32, #tpu.memory_space<vmem>>)
          %dma_start3A_109 = arith.constant 0 : i32
          %dma_start3A_110 = arith.constant 0 : i32
          %dma_start3A_111 = arith.constant 0 : i32
          %dma_start3A_112 = arith.constant 0 : i32
          %dma_start3A_113 = arith.constant 0 : i32
          %dma_start3A_114 = tpu.memref_slice %arg7[%dma_start3A_111, %dma_start3A_112, %dma_start3A_113] : memref<2x128x128xf32, #tpu.memory_space<vmem>> -> memref<1x128x128xf32, #tpu.memory_space<vmem>>
          %dma_start3A_115 = tpu.memref_squeeze %dma_start3A_114 : memref<1x128x128xf32, #tpu.memory_space<vmem>> -> memref<128x128xf32, #tpu.memory_space<vmem>>
          %dma_start3A_116 = arith.constant 0 : i32
          %dma_start3A_117 = tpu.memref_slice %arg6[%dma_start3A_109, %dma_start3A_110, %dma_start3A_116] : memref<2x2x128xi32, #tpu.memory_space<vmem>> -> memref<1x1x128xi32, #tpu.memory_space<vmem>>
          %dma_start3A_118 = tpu.memref_squeeze %dma_start3A_117 : memref<1x1x128xi32, #tpu.memory_space<vmem>> -> memref<128xi32, #tpu.memory_space<vmem>>
          %dma_start3A_119 = arith.constant 0 : i32
          %dma_start3A_120 = arith.constant 0 : i32
          %dma_start3A_121 = tpu.memref_slice %arg2[%dma_start3A_119, %dma_start3A_120] : memref<10000x128xf32, #tpu.memory_space<hbm>> -> memref<10000x128xf32, #tpu.memory_space<hbm>>
          tpu.enqueue_indirect_dma source(%dma_start3A_121 : memref<10000x128xf32, #tpu.memory_space<hbm>>) target(%dma_start3A_115 : memref<128x128xf32, #tpu.memory_space<vmem>>) offsets(%dma_start3A_118 : memref<128xi32, #tpu.memory_space<vmem>>) semaphore(%arg11 : memref<!tpu.dma_semaphore, #tpu.memory_space<semaphore_mem>>)
          %dma_start3A_122 = arith.constant 0 : i32
          %dma_start3A_123 = arith.constant 1 : i32
          %dma_start3A_124 = arith.constant 0 : i32
          %dma_start3A_125 = arith.constant 0 : i32
          %dma_start3A_126 = arith.constant 0 : i32
          %dma_start3A_127 = tpu.memref_slice %arg8[%dma_start3A_124, %dma_start3A_125, %dma_start3A_126] : memref<2x128x128xf32, #tpu.memory_space<vmem>> -> memref<1x128x128xf32, #tpu.memory_space<vmem>>
          %dma_start3A_128 = tpu.memref_squeeze %dma_start3A_127 : memref<1x128x128xf32, #tpu.memory_space<vmem>> -> memref<128x128xf32, #tpu.memory_space<vmem>>
          %dma_start3A_129 = arith.constant 0 : i32
          %dma_start3A_130 = tpu.memref_slice %arg6[%dma_start3A_122, %dma_start3A_123, %dma_start3A_129] : memref<2x2x128xi32, #tpu.memory_space<vmem>> -> memref<1x1x128xi32, #tpu.memory_space<vmem>>
          %dma_start3A_131 = tpu.memref_squeeze %dma_start3A_130 : memref<1x1x128xi32, #tpu.memory_space<vmem>> -> memref<128xi32, #tpu.memory_space<vmem>>
          %dma_start3A_132 = arith.constant 0 : i32
          %dma_start3A_133 = arith.constant 0 : i32
          %dma_start3A_134 = tpu.memref_slice %arg3[%dma_start3A_132, %dma_start3A_133] : memref<10000x128xf32, #tpu.memory_space<hbm>> -> memref<10000x128xf32, #tpu.memory_space<hbm>>
          tpu.enqueue_indirect_dma source(%dma_start3A_134 : memref<10000x128xf32, #tpu.memory_space<hbm>>) target(%dma_start3A_128 : memref<128x128xf32, #tpu.memory_space<vmem>>) offsets(%dma_start3A_131 : memref<128xi32, #tpu.memory_space<vmem>>) semaphore(%arg13 : memref<!tpu.dma_semaphore, #tpu.memory_space<semaphore_mem>>)
        } else {
        }
      } else {
      }
      %eq3A_67 = arith.constant 1 : i32
      %eq3A_68 = arith.cmpi eq, %rem3A_25, %eq3A_67 : i32
      %convert_element_type3A_69 = arith.extui %eq3A_68 : i1 to i32
      %cond3A_70 = arith.constant 0 : i32
      %cond3A_71 = arith.cmpi ne, %convert_element_type3A_69, %cond3A_70 : i32
      scf.if %cond3A_71 {
        %ge3A_80 = arith.constant 2 : i32
        %ge3A_81 = arith.cmpi sge, %scan3A_24, %ge3A_80 : i32
        %lt3A_82 = arith.constant 1250 : i32
        %lt3A_83 = arith.cmpi slt, %add3A_54, %lt3A_82 : i32
        %and3A_84 = arith.andi %ge3A_81, %lt3A_83 : i1
        %convert_element_type3A_85 = arith.extui %and3A_84 : i1 to i32
        %cond3A_86 = arith.constant 0 : i32
        %cond3A_87 = arith.cmpi ne, %convert_element_type3A_85, %cond3A_86 : i32
        scf.if %cond3A_87 {
          %sub3A_93 = arith.constant 0 : i32
          %sub3A_94 = arith.subi %add3A_54, %sub3A_93 : i32
          %mul3A_95 = arith.constant 128 : i32
          %mul3A_96 = arith.muli %sub3A_94, %mul3A_95 : i32
          %dma_wait3A = arith.constant 1 : i32
          %dma_wait3A_97 = arith.constant 0 : i32
          %dma_wait3A_98 = arith.constant 0 : i32
          %dma_wait3A_99 = tpu.memref_slice %arg7[%dma_wait3A, %dma_wait3A_97, %dma_wait3A_98] : memref<2x128x128xf32, #tpu.memory_space<vmem>> -> memref<1x128x128xf32, #tpu.memory_space<vmem>>
          %dma_wait3A_100 = tpu.memref_squeeze %dma_wait3A_99 : memref<1x128x128xf32, #tpu.memory_space<vmem>> -> memref<128x128xf32, #tpu.memory_space<vmem>>
          %dma_wait3A_101 = arith.constant 0 : i32
          %dma_wait3A_102 = tpu.memref_slice %arg5[%mul3A_96, %dma_wait3A_101] : memref<160000x128xf32, #tpu.memory_space<hbm>> -> memref<128x128xf32, #tpu.memory_space<hbm>>
          %dma_wait3A_103 = arith.constant 0 : i32
          %dma_wait3A_104 = tpu.memref_slice %arg5[%mul3A_96, %dma_wait3A_103] : memref<160000x128xf32, #tpu.memory_space<hbm>> -> memref<128x128xf32, #tpu.memory_space<hbm>>
          %dma_wait3A_105 = arith.constant 0 : i32
          %dma_wait3A_106 = arith.constant 0 : i32
          %dma_wait3A_107 = tpu.memref_slice %arg7[%dma_wait3A, %dma_wait3A_105, %dma_wait3A_106] : memref<2x128x128xf32, #tpu.memory_space<vmem>> -> memref<1x128x128xf32, #tpu.memory_space<vmem>>
          %dma_wait3A_108 = tpu.memref_squeeze %dma_wait3A_107 : memref<1x128x128xf32, #tpu.memory_space<vmem>> -> memref<128x128xf32, #tpu.memory_space<vmem>>
          tpu.wait_dma2 semaphore(%arg16 : memref<!tpu.dma_semaphore, #tpu.memory_space<semaphore_mem>>) src(%dma_wait3A_108 : memref<128x128xf32, #tpu.memory_space<vmem>>) dst(%dma_wait3A_104 : memref<128x128xf32, #tpu.memory_space<hbm>>)
        } else {
        }
        %lt3A_88 = arith.constant 1250 : i32
        %lt3A_89 = arith.cmpi slt, %add3A_40, %lt3A_88 : i32
        %convert_element_type3A_90 = arith.extui %lt3A_89 : i1 to i32
        %cond3A_91 = arith.constant 0 : i32
        %cond3A_92 = arith.cmpi ne, %convert_element_type3A_90, %cond3A_91 : i32
        scf.if %cond3A_92 {
          %dma_wait3A = arith.constant 1 : i32
          %dma_wait3A_93 = arith.constant 0 : i32
          %dma_wait3A_94 = arith.constant 0 : i32
          %dma_wait3A_95 = tpu.memref_slice %arg6[%dma_wait3A, %dma_wait3A_93, %dma_wait3A_94] : memref<2x2x128xi32, #tpu.memory_space<vmem>> -> memref<1x2x128xi32, #tpu.memory_space<vmem>>
          %dma_wait3A_96 = tpu.memref_squeeze %dma_wait3A_95 : memref<1x2x128xi32, #tpu.memory_space<vmem>> -> memref<2x128xi32, #tpu.memory_space<vmem>>
          %dma_wait3A_97 = arith.constant 0 : i32
          %dma_wait3A_98 = arith.constant 0 : i32
          %dma_wait3A_99 = tpu.memref_slice %arg4[%add3A_40, %dma_wait3A_97, %dma_wait3A_98] : memref<1250x2x128xi32, #tpu.memory_space<hbm>> -> memref<1x2x128xi32, #tpu.memory_space<hbm>>
          %dma_wait3A_100 = tpu.memref_squeeze %dma_wait3A_99 : memref<1x2x128xi32, #tpu.memory_space<hbm>> -> memref<2x128xi32, #tpu.memory_space<hbm>>
          %dma_wait3A_101 = arith.constant 0 : i32
          %dma_wait3A_102 = arith.constant 0 : i32
          %dma_wait3A_103 = tpu.memref_slice %arg6[%dma_wait3A, %dma_wait3A_101, %dma_wait3A_102] : memref<2x2x128xi32, #tpu.memory_space<vmem>> -> memref<1x2x128xi32, #tpu.memory_space<vmem>>
          %dma_wait3A_104 = tpu.memref_squeeze %dma_wait3A_103 : memref<1x2x128xi32, #tpu.memory_space<vmem>> -> memref<2x128xi32, #tpu.memory_space<vmem>>
          %dma_wait3A_105 = arith.constant 0 : i32
          %dma_wait3A_106 = arith.constant 0 : i32
          %dma_wait3A_107 = tpu.memref_slice %arg4[%add3A_40, %dma_wait3A_105, %dma_wait3A_106] : memref<1250x2x128xi32, #tpu.memory_space<hbm>> -> memref<1x2x128xi32, #tpu.memory_space<hbm>>
          %dma_wait3A_108 = tpu.memref_squeeze %dma_wait3A_107 : memref<1x2x128xi32, #tpu.memory_space<hbm>> -> memref<2x128xi32, #tpu.memory_space<hbm>>
          tpu.wait_dma2 semaphore(%arg10 : memref<!tpu.dma_semaphore, #tpu.memory_space<semaphore_mem>>) src(%dma_wait3A_108 : memref<2x128xi32, #tpu.memory_space<hbm>>) dst(%dma_wait3A_104 : memref<2x128xi32, #tpu.memory_space<vmem>>)
          %dma_start3A_109 = arith.constant 1 : i32
          %dma_start3A_110 = arith.constant 0 : i32
          %dma_start3A_111 = arith.constant 1 : i32
          %dma_start3A_112 = arith.constant 0 : i32
          %dma_start3A_113 = arith.constant 0 : i32
          %dma_start3A_114 = tpu.memref_slice %arg7[%dma_start3A_111, %dma_start3A_112, %dma_start3A_113] : memref<2x128x128xf32, #tpu.memory_space<vmem>> -> memref<1x128x128xf32, #tpu.memory_space<vmem>>
          %dma_start3A_115 = tpu.memref_squeeze %dma_start3A_114 : memref<1x128x128xf32, #tpu.memory_space<vmem>> -> memref<128x128xf32, #tpu.memory_space<vmem>>
          %dma_start3A_116 = arith.constant 0 : i32
          %dma_start3A_117 = tpu.memref_slice %arg6[%dma_start3A_109, %dma_start3A_110, %dma_start3A_116] : memref<2x2x128xi32, #tpu.memory_space<vmem>> -> memref<1x1x128xi32, #tpu.memory_space<vmem>>
          %dma_start3A_118 = tpu.memref_squeeze %dma_start3A_117 : memref<1x1x128xi32, #tpu.memory_space<vmem>> -> memref<128xi32, #tpu.memory_space<vmem>>
          %dma_start3A_119 = arith.constant 0 : i32
          %dma_start3A_120 = arith.constant 0 : i32
          %dma_start3A_121 = tpu.memref_slice %arg2[%dma_start3A_119, %dma_start3A_120] : memref<10000x128xf32, #tpu.memory_space<hbm>> -> memref<10000x128xf32, #tpu.memory_space<hbm>>
          tpu.enqueue_indirect_dma source(%dma_start3A_121 : memref<10000x128xf32, #tpu.memory_space<hbm>>) target(%dma_start3A_115 : memref<128x128xf32, #tpu.memory_space<vmem>>) offsets(%dma_start3A_118 : memref<128xi32, #tpu.memory_space<vmem>>) semaphore(%arg12 : memref<!tpu.dma_semaphore, #tpu.memory_space<semaphore_mem>>)
          %dma_start3A_122 = arith.constant 1 : i32
          %dma_start3A_123 = arith.constant 1 : i32
          %dma_start3A_124 = arith.constant 1 : i32
          %dma_start3A_125 = arith.constant 0 : i32
          %dma_start3A_126 = arith.constant 0 : i32
          %dma_start3A_127 = tpu.memref_slice %arg8[%dma_start3A_124, %dma_start3A_125, %dma_start3A_126] : memref<2x128x128xf32, #tpu.memory_space<vmem>> -> memref<1x128x128xf32, #tpu.memory_space<vmem>>
          %dma_start3A_128 = tpu.memref_squeeze %dma_start3A_127 : memref<1x128x128xf32, #tpu.memory_space<vmem>> -> memref<128x128xf32, #tpu.memory_space<vmem>>
          %dma_start3A_129 = arith.constant 0 : i32
          %dma_start3A_130 = tpu.memref_slice %arg6[%dma_start3A_122, %dma_start3A_123, %dma_start3A_129] : memref<2x2x128xi32, #tpu.memory_space<vmem>> -> memref<1x1x128xi32, #tpu.memory_space<vmem>>
          %dma_start3A_131 = tpu.memref_squeeze %dma_start3A_130 : memref<1x1x128xi32, #tpu.memory_space<vmem>> -> memref<128xi32, #tpu.memory_space<vmem>>
          %dma_start3A_132 = arith.constant 0 : i32
          %dma_start3A_133 = arith.constant 0 : i32
          %dma_start3A_134 = tpu.memref_slice %arg3[%dma_start3A_132, %dma_start3A_133] : memref<10000x128xf32, #tpu.memory_space<hbm>> -> memref<10000x128xf32, #tpu.memory_space<hbm>>
          tpu.enqueue_indirect_dma source(%dma_start3A_134 : memref<10000x128xf32, #tpu.memory_space<hbm>>) target(%dma_start3A_128 : memref<128x128xf32, #tpu.memory_space<vmem>>) offsets(%dma_start3A_131 : memref<128xi32, #tpu.memory_space<vmem>>) semaphore(%arg14 : memref<!tpu.dma_semaphore, #tpu.memory_space<semaphore_mem>>)
        } else {
        }
      } else {
      }
      %ge3A_72 = arith.constant 1 : i32
      %ge3A_73 = arith.cmpi sge, %scan3A_24, %ge3A_72 : i32
      %lt3A_74 = arith.constant 1250 : i32
      %lt3A_75 = arith.cmpi slt, %add3A_35, %lt3A_74 : i32
      %and3A_76 = arith.andi %ge3A_73, %lt3A_75 : i1
      %convert_element_type3A_77 = arith.extui %and3A_76 : i1 to i32
      %cond3A_78 = arith.constant 0 : i32
      %cond3A_79 = arith.cmpi ne, %convert_element_type3A_77, %cond3A_78 : i32
      scf.if %cond3A_79 {
        %eq3A_80 = arith.constant 0 : i32
        %eq3A_81 = arith.cmpi eq, %rem3A_29, %eq3A_80 : i32
        %convert_element_type3A_82 = arith.extui %eq3A_81 : i1 to i32
        %cond3A_83 = arith.constant 0 : i32
        %cond3A_84 = arith.cmpi ne, %convert_element_type3A_82, %cond3A_83 : i32
        scf.if %cond3A_84 {
          %scan3A_90 = arith.constant 0 : i32
          %scan3A_91 = arith.constant 0 : i32
          %scan3A_92 = arith.constant 128 : i32
          %scan3A_93 = arith.addi %scan3A_91, %scan3A_92 : i32
          %scan3A_94 = arith.constant 1 : i32
          scf.for %scan3A_113 = %scan3A_91 to %scan3A_93 step %scan3A_94  : i32 {
            %get3A = arith.constant 0 : i32
            %get3A_114 = arith.index_cast %get3A : i32 to index
            %get3A_115 = arith.index_cast %scan3A_113 : i32 to index
            %get3A_116 = arith.constant 0 : index
            %get3A_117 = tpu.vector_load %arg7[%get3A_114, %get3A_115, %get3A_116] {strides = array<i32>} : memref<2x128x128xf32, #tpu.memory_space<vmem>>, vector<1x1x16xf32>,
            %get3A_118 = vector.shape_cast %get3A_117 : vector<1x1x16xf32> to vector<16xf32>
            %get3A_119 = arith.constant 0 : i32
            %get3A_120 = arith.index_cast %get3A_119 : i32 to index
            %get3A_121 = arith.index_cast %scan3A_113 : i32 to index
            %get3A_122 = arith.constant 0 : index
            %get3A_123 = tpu.vector_load %arg8[%get3A_120, %get3A_121, %get3A_122] {strides = array<i32>} : memref<2x128x128xf32, #tpu.memory_space<vmem>>, vector<1x1x16xf32>,
            %get3A_124 = vector.shape_cast %get3A_123 : vector<1x1x16xf32> to vector<16xf32>
            %add3A_125 = arith.addf %get3A_118, %get3A_124 : vector<16xf32>
            %swap3A = arith.constant 0 : i32
            %swap3A_126 = arith.index_cast %swap3A : i32 to index
            %swap3A_127 = arith.index_cast %scan3A_113 : i32 to index
            %swap3A_128 = arith.constant 0 : index
            %swap3A_129 = tpu.vector_load %arg7[%swap3A_126, %swap3A_127, %swap3A_128] {strides = array<i32>} : memref<2x128x128xf32, #tpu.memory_space<vmem>>, vector<1x1x16xf32>,
            %swap3A_130 = vector.shape_cast %swap3A_129 : vector<1x1x16xf32> to vector<16xf32>
            %swap3A_131 = vector.shape_cast %add3A_125 : vector<16xf32> to vector<1x1x16xf32>
            tpu.vector_store %arg7[%swap3A_126, %swap3A_127, %swap3A_128], %swap3A_131 {strides = array<i32>} : memref<2x128x128xf32, #tpu.memory_space<vmem>>, vector<1x1x16xf32>,
            %get3A_132 = arith.constant 0 : i32
            %get3A_133 = arith.index_cast %get3A_132 : i32 to index
            %get3A_134 = arith.index_cast %scan3A_113 : i32 to index
            %get3A_135 = arith.constant 16 : index
            %get3A_136 = tpu.vector_load %arg7[%get3A_133, %get3A_134, %get3A_135] {strides = array<i32>} : memref<2x128x128xf32, #tpu.memory_space<vmem>>, vector<1x1x16xf32>,
            %get3A_137 = vector.shape_cast %get3A_136 : vector<1x1x16xf32> to vector<16xf32>
            %get3A_138 = arith.constant 0 : i32
            %get3A_139 = arith.index_cast %get3A_138 : i32 to index
            %get3A_140 = arith.index_cast %scan3A_113 : i32 to index
            %get3A_141 = arith.constant 16 : index
            %get3A_142 = tpu.vector_load %arg8[%get3A_139, %get3A_140, %get3A_141] {strides = array<i32>} : memref<2x128x128xf32, #tpu.memory_space<vmem>>, vector<1x1x16xf32>,
            %get3A_143 = vector.shape_cast %get3A_142 : vector<1x1x16xf32> to vector<16xf32>
            %add3A_144 = arith.addf %get3A_137, %get3A_143 : vector<16xf32>
            %swap3A_145 = arith.constant 0 : i32
            %swap3A_146 = arith.index_cast %swap3A_145 : i32 to index
            %swap3A_147 = arith.index_cast %scan3A_113 : i32 to index
            %swap3A_148 = arith.constant 16 : index
            %swap3A_149 = tpu.vector_load %arg7[%swap3A_146, %swap3A_147, %swap3A_148] {strides = array<i32>} : memref<2x128x128xf32, #tpu.memory_space<vmem>>, vector<1x1x16xf32>,
            %swap3A_150 = vector.shape_cast %swap3A_149 : vector<1x1x16xf32> to vector<16xf32>
            %swap3A_151 = vector.shape_cast %add3A_144 : vector<16xf32> to vector<1x1x16xf32>
            tpu.vector_store %arg7[%swap3A_146, %swap3A_147, %swap3A_148], %swap3A_151 {strides = array<i32>} : memref<2x128x128xf32, #tpu.memory_space<vmem>>, vector<1x1x16xf32>,
            %get3A_152 = arith.constant 0 : i32
            %get3A_153 = arith.index_cast %get3A_152 : i32 to index
            %get3A_154 = arith.index_cast %scan3A_113 : i32 to index
            %get3A_155 = arith.constant 32 : index
            %get3A_156 = tpu.vector_load %arg7[%get3A_153, %get3A_154, %get3A_155] {strides = array<i32>} : memref<2x128x128xf32, #tpu.memory_space<vmem>>, vector<1x1x16xf32>,
            %get3A_157 = vector.shape_cast %get3A_156 : vector<1x1x16xf32> to vector<16xf32>
            %get3A_158 = arith.constant 0 : i32
            %get3A_159 = arith.index_cast %get3A_158 : i32 to index
            %get3A_160 = arith.index_cast %scan3A_113 : i32 to index
            %get3A_161 = arith.constant 32 : index
            %get3A_162 = tpu.vector_load %arg8[%get3A_159, %get3A_160, %get3A_161] {strides = array<i32>} : memref<2x128x128xf32, #tpu.memory_space<vmem>>, vector<1x1x16xf32>,
            %get3A_163 = vector.shape_cast %get3A_162 : vector<1x1x16xf32> to vector<16xf32>
            %add3A_164 = arith.addf %get3A_157, %get3A_163 : vector<16xf32>
            %swap3A_165 = arith.constant 0 : i32
            %swap3A_166 = arith.index_cast %swap3A_165 : i32 to index
            %swap3A_167 = arith.index_cast %scan3A_113 : i32 to index
            %swap3A_168 = arith.constant 32 : index
            %swap3A_169 = tpu.vector_load %arg7[%swap3A_166, %swap3A_167, %swap3A_168] {strides = array<i32>} : memref<2x128x128xf32, #tpu.memory_space<vmem>>, vector<1x1x16xf32>,
            %swap3A_170 = vector.shape_cast %swap3A_169 : vector<1x1x16xf32> to vector<16xf32>
            %swap3A_171 = vector.shape_cast %add3A_164 : vector<16xf32> to vector<1x1x16xf32>
            tpu.vector_store %arg7[%swap3A_166, %swap3A_167, %swap3A_168], %swap3A_171 {strides = array<i32>} : memref<2x128x128xf32, #tpu.memory_space<vmem>>, vector<1x1x16xf32>,
            %get3A_172 = arith.constant 0 : i32
            %get3A_173 = arith.index_cast %get3A_172 : i32 to index
            %get3A_174 = arith.index_cast %scan3A_113 : i32 to index
            %get3A_175 = arith.constant 48 : index
            %get3A_176 = tpu.vector_load %arg7[%get3A_173, %get3A_174, %get3A_175] {strides = array<i32>} : memref<2x128x128xf32, #tpu.memory_space<vmem>>, vector<1x1x16xf32>,
            %get3A_177 = vector.shape_cast %get3A_176 : vector<1x1x16xf32> to vector<16xf32>
            %get3A_178 = arith.constant 0 : i32
            %get3A_179 = arith.index_cast %get3A_178 : i32 to index
            %get3A_180 = arith.index_cast %scan3A_113 : i32 to index
            %get3A_181 = arith.constant 48 : index
            %get3A_182 = tpu.vector_load %arg8[%get3A_179, %get3A_180, %get3A_181] {strides = array<i32>} : memref<2x128x128xf32, #tpu.memory_space<vmem>>, vector<1x1x16xf32>,
            %get3A_183 = vector.shape_cast %get3A_182 : vector<1x1x16xf32> to vector<16xf32>
            %add3A_184 = arith.addf %get3A_177, %get3A_183 : vector<16xf32>
            %swap3A_185 = arith.constant 0 : i32
            %swap3A_186 = arith.index_cast %swap3A_185 : i32 to index
            %swap3A_187 = arith.index_cast %scan3A_113 : i32 to index
            %swap3A_188 = arith.constant 48 : index
            %swap3A_189 = tpu.vector_load %arg7[%swap3A_186, %swap3A_187, %swap3A_188] {strides = array<i32>} : memref<2x128x128xf32, #tpu.memory_space<vmem>>, vector<1x1x16xf32>,
            %swap3A_190 = vector.shape_cast %swap3A_189 : vector<1x1x16xf32> to vector<16xf32>
            %swap3A_191 = vector.shape_cast %add3A_184 : vector<16xf32> to vector<1x1x16xf32>
            tpu.vector_store %arg7[%swap3A_186, %swap3A_187, %swap3A_188], %swap3A_191 {strides = array<i32>} : memref<2x128x128xf32, #tpu.memory_space<vmem>>, vector<1x1x16xf32>,
            %get3A_192 = arith.constant 0 : i32
            %get3A_193 = arith.index_cast %get3A_192 : i32 to index
            %get3A_194 = arith.index_cast %scan3A_113 : i32 to index
            %get3A_195 = arith.constant 64 : index
            %get3A_196 = tpu.vector_load %arg7[%get3A_193, %get3A_194, %get3A_195] {strides = array<i32>} : memref<2x128x128xf32, #tpu.memory_space<vmem>>, vector<1x1x16xf32>,
            %get3A_197 = vector.shape_cast %get3A_196 : vector<1x1x16xf32> to vector<16xf32>
            %get3A_198 = arith.constant 0 : i32
            %get3A_199 = arith.index_cast %get3A_198 : i32 to index
            %get3A_200 = arith.index_cast %scan3A_113 : i32 to index
            %get3A_201 = arith.constant 64 : index
            %get3A_202 = tpu.vector_load %arg8[%get3A_199, %get3A_200, %get3A_201] {strides = array<i32>} : memref<2x128x128xf32, #tpu.memory_space<vmem>>, vector<1x1x16xf32>,
            %get3A_203 = vector.shape_cast %get3A_202 : vector<1x1x16xf32> to vector<16xf32>
            %add3A_204 = arith.addf %get3A_197, %get3A_203 : vector<16xf32>
            %swap3A_205 = arith.constant 0 : i32
            %swap3A_206 = arith.index_cast %swap3A_205 : i32 to index
            %swap3A_207 = arith.index_cast %scan3A_113 : i32 to index
            %swap3A_208 = arith.constant 64 : index
            %swap3A_209 = tpu.vector_load %arg7[%swap3A_206, %swap3A_207, %swap3A_208] {strides = array<i32>} : memref<2x128x128xf32, #tpu.memory_space<vmem>>, vector<1x1x16xf32>,
            %swap3A_210 = vector.shape_cast %swap3A_209 : vector<1x1x16xf32> to vector<16xf32>
            %swap3A_211 = vector.shape_cast %add3A_204 : vector<16xf32> to vector<1x1x16xf32>
            tpu.vector_store %arg7[%swap3A_206, %swap3A_207, %swap3A_208], %swap3A_211 {strides = array<i32>} : memref<2x128x128xf32, #tpu.memory_space<vmem>>, vector<1x1x16xf32>,
            %get3A_212 = arith.constant 0 : i32
            %get3A_213 = arith.index_cast %get3A_212 : i32 to index
            %get3A_214 = arith.index_cast %scan3A_113 : i32 to index
            %get3A_215 = arith.constant 80 : index
            %get3A_216 = tpu.vector_load %arg7[%get3A_213, %get3A_214, %get3A_215] {strides = array<i32>} : memref<2x128x128xf32, #tpu.memory_space<vmem>>, vector<1x1x16xf32>,
            %get3A_217 = vector.shape_cast %get3A_216 : vector<1x1x16xf32> to vector<16xf32>
            %get3A_218 = arith.constant 0 : i32
            %get3A_219 = arith.index_cast %get3A_218 : i32 to index
            %get3A_220 = arith.index_cast %scan3A_113 : i32 to index
            %get3A_221 = arith.constant 80 : index
            %get3A_222 = tpu.vector_load %arg8[%get3A_219, %get3A_220, %get3A_221] {strides = array<i32>} : memref<2x128x128xf32, #tpu.memory_space<vmem>>, vector<1x1x16xf32>,
            %get3A_223 = vector.shape_cast %get3A_222 : vector<1x1x16xf32> to vector<16xf32>
            %add3A_224 = arith.addf %get3A_217, %get3A_223 : vector<16xf32>
            %swap3A_225 = arith.constant 0 : i32
            %swap3A_226 = arith.index_cast %swap3A_225 : i32 to index
            %swap3A_227 = arith.index_cast %scan3A_113 : i32 to index
            %swap3A_228 = arith.constant 80 : index
            %swap3A_229 = tpu.vector_load %arg7[%swap3A_226, %swap3A_227, %swap3A_228] {strides = array<i32>} : memref<2x128x128xf32, #tpu.memory_space<vmem>>, vector<1x1x16xf32>,
            %swap3A_230 = vector.shape_cast %swap3A_229 : vector<1x1x16xf32> to vector<16xf32>
            %swap3A_231 = vector.shape_cast %add3A_224 : vector<16xf32> to vector<1x1x16xf32>
            tpu.vector_store %arg7[%swap3A_226, %swap3A_227, %swap3A_228], %swap3A_231 {strides = array<i32>} : memref<2x128x128xf32, #tpu.memory_space<vmem>>, vector<1x1x16xf32>,
            %get3A_232 = arith.constant 0 : i32
            %get3A_233 = arith.index_cast %get3A_232 : i32 to index
            %get3A_234 = arith.index_cast %scan3A_113 : i32 to index
            %get3A_235 = arith.constant 96 : index
            %get3A_236 = tpu.vector_load %arg7[%get3A_233, %get3A_234, %get3A_235] {strides = array<i32>} : memref<2x128x128xf32, #tpu.memory_space<vmem>>, vector<1x1x16xf32>,
            %get3A_237 = vector.shape_cast %get3A_236 : vector<1x1x16xf32> to vector<16xf32>
            %get3A_238 = arith.constant 0 : i32
            %get3A_239 = arith.index_cast %get3A_238 : i32 to index
            %get3A_240 = arith.index_cast %scan3A_113 : i32 to index
            %get3A_241 = arith.constant 96 : index
            %get3A_242 = tpu.vector_load %arg8[%get3A_239, %get3A_240, %get3A_241] {strides = array<i32>} : memref<2x128x128xf32, #tpu.memory_space<vmem>>, vector<1x1x16xf32>,
            %get3A_243 = vector.shape_cast %get3A_242 : vector<1x1x16xf32> to vector<16xf32>
            %add3A_244 = arith.addf %get3A_237, %get3A_243 : vector<16xf32>
            %swap3A_245 = arith.constant 0 : i32
            %swap3A_246 = arith.index_cast %swap3A_245 : i32 to index
            %swap3A_247 = arith.index_cast %scan3A_113 : i32 to index
            %swap3A_248 = arith.constant 96 : index
            %swap3A_249 = tpu.vector_load %arg7[%swap3A_246, %swap3A_247, %swap3A_248] {strides = array<i32>} : memref<2x128x128xf32, #tpu.memory_space<vmem>>, vector<1x1x16xf32>,
            %swap3A_250 = vector.shape_cast %swap3A_249 : vector<1x1x16xf32> to vector<16xf32>
            %swap3A_251 = vector.shape_cast %add3A_244 : vector<16xf32> to vector<1x1x16xf32>
            tpu.vector_store %arg7[%swap3A_246, %swap3A_247, %swap3A_248], %swap3A_251 {strides = array<i32>} : memref<2x128x128xf32, #tpu.memory_space<vmem>>, vector<1x1x16xf32>,
            %get3A_252 = arith.constant 0 : i32
            %get3A_253 = arith.index_cast %get3A_252 : i32 to index
            %get3A_254 = arith.index_cast %scan3A_113 : i32 to index
            %get3A_255 = arith.constant 112 : index
            %get3A_256 = tpu.vector_load %arg7[%get3A_253, %get3A_254, %get3A_255] {strides = array<i32>} : memref<2x128x128xf32, #tpu.memory_space<vmem>>, vector<1x1x16xf32>,
            %get3A_257 = vector.shape_cast %get3A_256 : vector<1x1x16xf32> to vector<16xf32>
            %get3A_258 = arith.constant 0 : i32
            %get3A_259 = arith.index_cast %get3A_258 : i32 to index
            %get3A_260 = arith.index_cast %scan3A_113 : i32 to index
            %get3A_261 = arith.constant 112 : index
            %get3A_262 = tpu.vector_load %arg8[%get3A_259, %get3A_260, %get3A_261] {strides = array<i32>} : memref<2x128x128xf32, #tpu.memory_space<vmem>>, vector<1x1x16xf32>,
            %get3A_263 = vector.shape_cast %get3A_262 : vector<1x1x16xf32> to vector<16xf32>
            %add3A_264 = arith.addf %get3A_257, %get3A_263 : vector<16xf32>
            %swap3A_265 = arith.constant 0 : i32
            %swap3A_266 = arith.index_cast %swap3A_265 : i32 to index
            %swap3A_267 = arith.index_cast %scan3A_113 : i32 to index
            %swap3A_268 = arith.constant 112 : index
            %swap3A_269 = tpu.vector_load %arg7[%swap3A_266, %swap3A_267, %swap3A_268] {strides = array<i32>} : memref<2x128x128xf32, #tpu.memory_space<vmem>>, vector<1x1x16xf32>,
            %swap3A_270 = vector.shape_cast %swap3A_269 : vector<1x1x16xf32> to vector<16xf32>
            %swap3A_271 = vector.shape_cast %add3A_264 : vector<16xf32> to vector<1x1x16xf32>
            tpu.vector_store %arg7[%swap3A_266, %swap3A_267, %swap3A_268], %swap3A_271 {strides = array<i32>} : memref<2x128x128xf32, #tpu.memory_space<vmem>>, vector<1x1x16xf32>,
          }
          %scan3A_95 = arith.constant 128 : i32
          %sub3A_96 = arith.constant 0 : i32
          %sub3A_97 = arith.subi %add3A_35, %sub3A_96 : i32
          %mul3A_98 = arith.constant 128 : i32
          %mul3A_99 = arith.muli %sub3A_97, %mul3A_98 : i32
          %dma_start3A_100 = arith.constant 0 : i32
          %dma_start3A_101 = arith.constant 0 : i32
          %dma_start3A_102 = arith.constant 0 : i32
          %dma_start3A_103 = tpu.memref_slice %arg7[%dma_start3A_100, %dma_start3A_101, %dma_start3A_102] : memref<2x128x128xf32, #tpu.memory_space<vmem>> -> memref<1x128x128xf32, #tpu.memory_space<vmem>>
          %dma_start3A_104 = tpu.memref_squeeze %dma_start3A_103 : memref<1x128x128xf32, #tpu.memory_space<vmem>> -> memref<128x128xf32, #tpu.memory_space<vmem>>
          %dma_start3A_105 = arith.constant 0 : i32
          %dma_start3A_106 = tpu.memref_slice %arg5[%mul3A_99, %dma_start3A_105] : memref<160000x128xf32, #tpu.memory_space<hbm>> -> memref<128x128xf32, #tpu.memory_space<hbm>>
          %dma_start3A_107 = arith.constant 0 : i32
          %dma_start3A_108 = tpu.memref_slice %arg5[%mul3A_99, %dma_start3A_107] : memref<160000x128xf32, #tpu.memory_space<hbm>> -> memref<128x128xf32, #tpu.memory_space<hbm>>
          %dma_start3A_109 = arith.constant 0 : i32
          %dma_start3A_110 = arith.constant 0 : i32
          %dma_start3A_111 = tpu.memref_slice %arg7[%dma_start3A_100, %dma_start3A_109, %dma_start3A_110] : memref<2x128x128xf32, #tpu.memory_space<vmem>> -> memref<1x128x128xf32, #tpu.memory_space<vmem>>
          %dma_start3A_112 = tpu.memref_squeeze %dma_start3A_111 : memref<1x128x128xf32, #tpu.memory_space<vmem>> -> memref<128x128xf32, #tpu.memory_space<vmem>>
          tpu.enqueue_dma source(%dma_start3A_112 : memref<128x128xf32, #tpu.memory_space<vmem>>) target(%dma_start3A_108 : memref<128x128xf32, #tpu.memory_space<hbm>>) target_semaphore(%arg15 : memref<!tpu.dma_semaphore, #tpu.memory_space<semaphore_mem>>)
        } else {
        }
        %eq3A_85 = arith.constant 1 : i32
        %eq3A_86 = arith.cmpi eq, %rem3A_29, %eq3A_85 : i32
        %convert_element_type3A_87 = arith.extui %eq3A_86 : i1 to i32
        %cond3A_88 = arith.constant 0 : i32
        %cond3A_89 = arith.cmpi ne, %convert_element_type3A_87, %cond3A_88 : i32
        scf.if %cond3A_89 {
          %scan3A_90 = arith.constant 0 : i32
          %scan3A_91 = arith.constant 0 : i32
          %scan3A_92 = arith.constant 128 : i32
          %scan3A_93 = arith.addi %scan3A_91, %scan3A_92 : i32
          %scan3A_94 = arith.constant 1 : i32
          scf.for %scan3A_113 = %scan3A_91 to %scan3A_93 step %scan3A_94  : i32 {
            %get3A = arith.constant 1 : i32
            %get3A_114 = arith.index_cast %get3A : i32 to index
            %get3A_115 = arith.index_cast %scan3A_113 : i32 to index
            %get3A_116 = arith.constant 0 : index
            %get3A_117 = tpu.vector_load %arg7[%get3A_114, %get3A_115, %get3A_116] {strides = array<i32>} : memref<2x128x128xf32, #tpu.memory_space<vmem>>, vector<1x1x16xf32>,
            %get3A_118 = vector.shape_cast %get3A_117 : vector<1x1x16xf32> to vector<16xf32>
            %get3A_119 = arith.constant 1 : i32
            %get3A_120 = arith.index_cast %get3A_119 : i32 to index
            %get3A_121 = arith.index_cast %scan3A_113 : i32 to index
            %get3A_122 = arith.constant 0 : index
            %get3A_123 = tpu.vector_load %arg8[%get3A_120, %get3A_121, %get3A_122] {strides = array<i32>} : memref<2x128x128xf32, #tpu.memory_space<vmem>>, vector<1x1x16xf32>,
            %get3A_124 = vector.shape_cast %get3A_123 : vector<1x1x16xf32> to vector<16xf32>
            %add3A_125 = arith.addf %get3A_118, %get3A_124 : vector<16xf32>
            %swap3A = arith.constant 1 : i32
            %swap3A_126 = arith.index_cast %swap3A : i32 to index
            %swap3A_127 = arith.index_cast %scan3A_113 : i32 to index
            %swap3A_128 = arith.constant 0 : index
            %swap3A_129 = tpu.vector_load %arg7[%swap3A_126, %swap3A_127, %swap3A_128] {strides = array<i32>} : memref<2x128x128xf32, #tpu.memory_space<vmem>>, vector<1x1x16xf32>,
            %swap3A_130 = vector.shape_cast %swap3A_129 : vector<1x1x16xf32> to vector<16xf32>
            %swap3A_131 = vector.shape_cast %add3A_125 : vector<16xf32> to vector<1x1x16xf32>
            tpu.vector_store %arg7[%swap3A_126, %swap3A_127, %swap3A_128], %swap3A_131 {strides = array<i32>} : memref<2x128x128xf32, #tpu.memory_space<vmem>>, vector<1x1x16xf32>,
            %get3A_132 = arith.constant 1 : i32
            %get3A_133 = arith.index_cast %get3A_132 : i32 to index
            %get3A_134 = arith.index_cast %scan3A_113 : i32 to index
            %get3A_135 = arith.constant 16 : index
            %get3A_136 = tpu.vector_load %arg7[%get3A_133, %get3A_134, %get3A_135] {strides = array<i32>} : memref<2x128x128xf32, #tpu.memory_space<vmem>>, vector<1x1x16xf32>,
            %get3A_137 = vector.shape_cast %get3A_136 : vector<1x1x16xf32> to vector<16xf32>
            %get3A_138 = arith.constant 1 : i32
            %get3A_139 = arith.index_cast %get3A_138 : i32 to index
            %get3A_140 = arith.index_cast %scan3A_113 : i32 to index
            %get3A_141 = arith.constant 16 : index
            %get3A_142 = tpu.vector_load %arg8[%get3A_139, %get3A_140, %get3A_141] {strides = array<i32>} : memref<2x128x128xf32, #tpu.memory_space<vmem>>, vector<1x1x16xf32>,
            %get3A_143 = vector.shape_cast %get3A_142 : vector<1x1x16xf32> to vector<16xf32>
            %add3A_144 = arith.addf %get3A_137, %get3A_143 : vector<16xf32>
            %swap3A_145 = arith.constant 1 : i32
            %swap3A_146 = arith.index_cast %swap3A_145 : i32 to index
            %swap3A_147 = arith.index_cast %scan3A_113 : i32 to index
            %swap3A_148 = arith.constant 16 : index
            %swap3A_149 = tpu.vector_load %arg7[%swap3A_146, %swap3A_147, %swap3A_148] {strides = array<i32>} : memref<2x128x128xf32, #tpu.memory_space<vmem>>, vector<1x1x16xf32>,
            %swap3A_150 = vector.shape_cast %swap3A_149 : vector<1x1x16xf32> to vector<16xf32>
            %swap3A_151 = vector.shape_cast %add3A_144 : vector<16xf32> to vector<1x1x16xf32>
            tpu.vector_store %arg7[%swap3A_146, %swap3A_147, %swap3A_148], %swap3A_151 {strides = array<i32>} : memref<2x128x128xf32, #tpu.memory_space<vmem>>, vector<1x1x16xf32>,
            %get3A_152 = arith.constant 1 : i32
            %get3A_153 = arith.index_cast %get3A_152 : i32 to index
            %get3A_154 = arith.index_cast %scan3A_113 : i32 to index
            %get3A_155 = arith.constant 32 : index
            %get3A_156 = tpu.vector_load %arg7[%get3A_153, %get3A_154, %get3A_155] {strides = array<i32>} : memref<2x128x128xf32, #tpu.memory_space<vmem>>, vector<1x1x16xf32>,
            %get3A_157 = vector.shape_cast %get3A_156 : vector<1x1x16xf32> to vector<16xf32>
            %get3A_158 = arith.constant 1 : i32
            %get3A_159 = arith.index_cast %get3A_158 : i32 to index
            %get3A_160 = arith.index_cast %scan3A_113 : i32 to index
            %get3A_161 = arith.constant 32 : index
            %get3A_162 = tpu.vector_load %arg8[%get3A_159, %get3A_160, %get3A_161] {strides = array<i32>} : memref<2x128x128xf32, #tpu.memory_space<vmem>>, vector<1x1x16xf32>,
            %get3A_163 = vector.shape_cast %get3A_162 : vector<1x1x16xf32> to vector<16xf32>
            %add3A_164 = arith.addf %get3A_157, %get3A_163 : vector<16xf32>
            %swap3A_165 = arith.constant 1 : i32
            %swap3A_166 = arith.index_cast %swap3A_165 : i32 to index
            %swap3A_167 = arith.index_cast %scan3A_113 : i32 to index
            %swap3A_168 = arith.constant 32 : index
            %swap3A_169 = tpu.vector_load %arg7[%swap3A_166, %swap3A_167, %swap3A_168] {strides = array<i32>} : memref<2x128x128xf32, #tpu.memory_space<vmem>>, vector<1x1x16xf32>,
            %swap3A_170 = vector.shape_cast %swap3A_169 : vector<1x1x16xf32> to vector<16xf32>
            %swap3A_171 = vector.shape_cast %add3A_164 : vector<16xf32> to vector<1x1x16xf32>
            tpu.vector_store %arg7[%swap3A_166, %swap3A_167, %swap3A_168], %swap3A_171 {strides = array<i32>} : memref<2x128x128xf32, #tpu.memory_space<vmem>>, vector<1x1x16xf32>,
            %get3A_172 = arith.constant 1 : i32
            %get3A_173 = arith.index_cast %get3A_172 : i32 to index
            %get3A_174 = arith.index_cast %scan3A_113 : i32 to index
            %get3A_175 = arith.constant 48 : index
            %get3A_176 = tpu.vector_load %arg7[%get3A_173, %get3A_174, %get3A_175] {strides = array<i32>} : memref<2x128x128xf32, #tpu.memory_space<vmem>>, vector<1x1x16xf32>,
            %get3A_177 = vector.shape_cast %get3A_176 : vector<1x1x16xf32> to vector<16xf32>
            %get3A_178 = arith.constant 1 : i32
            %get3A_179 = arith.index_cast %get3A_178 : i32 to index
            %get3A_180 = arith.index_cast %scan3A_113 : i32 to index
            %get3A_181 = arith.constant 48 : index
            %get3A_182 = tpu.vector_load %arg8[%get3A_179, %get3A_180, %get3A_181] {strides = array<i32>} : memref<2x128x128xf32, #tpu.memory_space<vmem>>, vector<1x1x16xf32>,
            %get3A_183 = vector.shape_cast %get3A_182 : vector<1x1x16xf32> to vector<16xf32>
            %add3A_184 = arith.addf %get3A_177, %get3A_183 : vector<16xf32>
            %swap3A_185 = arith.constant 1 : i32
            %swap3A_186 = arith.index_cast %swap3A_185 : i32 to index
            %swap3A_187 = arith.index_cast %scan3A_113 : i32 to index
            %swap3A_188 = arith.constant 48 : index
            %swap3A_189 = tpu.vector_load %arg7[%swap3A_186, %swap3A_187, %swap3A_188] {strides = array<i32>} : memref<2x128x128xf32, #tpu.memory_space<vmem>>, vector<1x1x16xf32>,
            %swap3A_190 = vector.shape_cast %swap3A_189 : vector<1x1x16xf32> to vector<16xf32>
            %swap3A_191 = vector.shape_cast %add3A_184 : vector<16xf32> to vector<1x1x16xf32>
            tpu.vector_store %arg7[%swap3A_186, %swap3A_187, %swap3A_188], %swap3A_191 {strides = array<i32>} : memref<2x128x128xf32, #tpu.memory_space<vmem>>, vector<1x1x16xf32>,
            %get3A_192 = arith.constant 1 : i32
            %get3A_193 = arith.index_cast %get3A_192 : i32 to index
            %get3A_194 = arith.index_cast %scan3A_113 : i32 to index
            %get3A_195 = arith.constant 64 : index
            %get3A_196 = tpu.vector_load %arg7[%get3A_193, %get3A_194, %get3A_195] {strides = array<i32>} : memref<2x128x128xf32, #tpu.memory_space<vmem>>, vector<1x1x16xf32>,
            %get3A_197 = vector.shape_cast %get3A_196 : vector<1x1x16xf32> to vector<16xf32>
            %get3A_198 = arith.constant 1 : i32
            %get3A_199 = arith.index_cast %get3A_198 : i32 to index
            %get3A_200 = arith.index_cast %scan3A_113 : i32 to index
            %get3A_201 = arith.constant 64 : index
            %get3A_202 = tpu.vector_load %arg8[%get3A_199, %get3A_200, %get3A_201] {strides = array<i32>} : memref<2x128x128xf32, #tpu.memory_space<vmem>>, vector<1x1x16xf32>,
            %get3A_203 = vector.shape_cast %get3A_202 : vector<1x1x16xf32> to vector<16xf32>
            %add3A_204 = arith.addf %get3A_197, %get3A_203 : vector<16xf32>
            %swap3A_205 = arith.constant 1 : i32
            %swap3A_206 = arith.index_cast %swap3A_205 : i32 to index
            %swap3A_207 = arith.index_cast %scan3A_113 : i32 to index
            %swap3A_208 = arith.constant 64 : index
            %swap3A_209 = tpu.vector_load %arg7[%swap3A_206, %swap3A_207, %swap3A_208] {strides = array<i32>} : memref<2x128x128xf32, #tpu.memory_space<vmem>>, vector<1x1x16xf32>,
            %swap3A_210 = vector.shape_cast %swap3A_209 : vector<1x1x16xf32> to vector<16xf32>
            %swap3A_211 = vector.shape_cast %add3A_204 : vector<16xf32> to vector<1x1x16xf32>
            tpu.vector_store %arg7[%swap3A_206, %swap3A_207, %swap3A_208], %swap3A_211 {strides = array<i32>} : memref<2x128x128xf32, #tpu.memory_space<vmem>>, vector<1x1x16xf32>,
            %get3A_212 = arith.constant 1 : i32
            %get3A_213 = arith.index_cast %get3A_212 : i32 to index
            %get3A_214 = arith.index_cast %scan3A_113 : i32 to index
            %get3A_215 = arith.constant 80 : index
            %get3A_216 = tpu.vector_load %arg7[%get3A_213, %get3A_214, %get3A_215] {strides = array<i32>} : memref<2x128x128xf32, #tpu.memory_space<vmem>>, vector<1x1x16xf32>,
            %get3A_217 = vector.shape_cast %get3A_216 : vector<1x1x16xf32> to vector<16xf32>
            %get3A_218 = arith.constant 1 : i32
            %get3A_219 = arith.index_cast %get3A_218 : i32 to index
            %get3A_220 = arith.index_cast %scan3A_113 : i32 to index
            %get3A_221 = arith.constant 80 : index
            %get3A_222 = tpu.vector_load %arg8[%get3A_219, %get3A_220, %get3A_221] {strides = array<i32>} : memref<2x128x128xf32, #tpu.memory_space<vmem>>, vector<1x1x16xf32>,
            %get3A_223 = vector.shape_cast %get3A_222 : vector<1x1x16xf32> to vector<16xf32>
            %add3A_224 = arith.addf %get3A_217, %get3A_223 : vector<16xf32>
            %swap3A_225 = arith.constant 1 : i32
            %swap3A_226 = arith.index_cast %swap3A_225 : i32 to index
            %swap3A_227 = arith.index_cast %scan3A_113 : i32 to index
            %swap3A_228 = arith.constant 80 : index
            %swap3A_229 = tpu.vector_load %arg7[%swap3A_226, %swap3A_227, %swap3A_228] {strides = array<i32>} : memref<2x128x128xf32, #tpu.memory_space<vmem>>, vector<1x1x16xf32>,
            %swap3A_230 = vector.shape_cast %swap3A_229 : vector<1x1x16xf32> to vector<16xf32>
            %swap3A_231 = vector.shape_cast %add3A_224 : vector<16xf32> to vector<1x1x16xf32>
            tpu.vector_store %arg7[%swap3A_226, %swap3A_227, %swap3A_228], %swap3A_231 {strides = array<i32>} : memref<2x128x128xf32, #tpu.memory_space<vmem>>, vector<1x1x16xf32>,
            %get3A_232 = arith.constant 1 : i32
            %get3A_233 = arith.index_cast %get3A_232 : i32 to index
            %get3A_234 = arith.index_cast %scan3A_113 : i32 to index
            %get3A_235 = arith.constant 96 : index
            %get3A_236 = tpu.vector_load %arg7[%get3A_233, %get3A_234, %get3A_235] {strides = array<i32>} : memref<2x128x128xf32, #tpu.memory_space<vmem>>, vector<1x1x16xf32>,
            %get3A_237 = vector.shape_cast %get3A_236 : vector<1x1x16xf32> to vector<16xf32>
            %get3A_238 = arith.constant 1 : i32
            %get3A_239 = arith.index_cast %get3A_238 : i32 to index
            %get3A_240 = arith.index_cast %scan3A_113 : i32 to index
            %get3A_241 = arith.constant 96 : index
            %get3A_242 = tpu.vector_load %arg8[%get3A_239, %get3A_240, %get3A_241] {strides = array<i32>} : memref<2x128x128xf32, #tpu.memory_space<vmem>>, vector<1x1x16xf32>,
            %get3A_243 = vector.shape_cast %get3A_242 : vector<1x1x16xf32> to vector<16xf32>
            %add3A_244 = arith.addf %get3A_237, %get3A_243 : vector<16xf32>
            %swap3A_245 = arith.constant 1 : i32
            %swap3A_246 = arith.index_cast %swap3A_245 : i32 to index
            %swap3A_247 = arith.index_cast %scan3A_113 : i32 to index
            %swap3A_248 = arith.constant 96 : index
            %swap3A_249 = tpu.vector_load %arg7[%swap3A_246, %swap3A_247, %swap3A_248] {strides = array<i32>} : memref<2x128x128xf32, #tpu.memory_space<vmem>>, vector<1x1x16xf32>,
            %swap3A_250 = vector.shape_cast %swap3A_249 : vector<1x1x16xf32> to vector<16xf32>
            %swap3A_251 = vector.shape_cast %add3A_244 : vector<16xf32> to vector<1x1x16xf32>
            tpu.vector_store %arg7[%swap3A_246, %swap3A_247, %swap3A_248], %swap3A_251 {strides = array<i32>} : memref<2x128x128xf32, #tpu.memory_space<vmem>>, vector<1x1x16xf32>,
            %get3A_252 = arith.constant 1 : i32
            %get3A_253 = arith.index_cast %get3A_252 : i32 to index
            %get3A_254 = arith.index_cast %scan3A_113 : i32 to index
            %get3A_255 = arith.constant 112 : index
            %get3A_256 = tpu.vector_load %arg7[%get3A_253, %get3A_254, %get3A_255] {strides = array<i32>} : memref<2x128x128xf32, #tpu.memory_space<vmem>>, vector<1x1x16xf32>,
            %get3A_257 = vector.shape_cast %get3A_256 : vector<1x1x16xf32> to vector<16xf32>
            %get3A_258 = arith.constant 1 : i32
            %get3A_259 = arith.index_cast %get3A_258 : i32 to index
            %get3A_260 = arith.index_cast %scan3A_113 : i32 to index
            %get3A_261 = arith.constant 112 : index
            %get3A_262 = tpu.vector_load %arg8[%get3A_259, %get3A_260, %get3A_261] {strides = array<i32>} : memref<2x128x128xf32, #tpu.memory_space<vmem>>, vector<1x1x16xf32>,
            %get3A_263 = vector.shape_cast %get3A_262 : vector<1x1x16xf32> to vector<16xf32>
            %add3A_264 = arith.addf %get3A_257, %get3A_263 : vector<16xf32>
            %swap3A_265 = arith.constant 1 : i32
            %swap3A_266 = arith.index_cast %swap3A_265 : i32 to index
            %swap3A_267 = arith.index_cast %scan3A_113 : i32 to index
            %swap3A_268 = arith.constant 112 : index
            %swap3A_269 = tpu.vector_load %arg7[%swap3A_266, %swap3A_267, %swap3A_268] {strides = array<i32>} : memref<2x128x128xf32, #tpu.memory_space<vmem>>, vector<1x1x16xf32>,
            %swap3A_270 = vector.shape_cast %swap3A_269 : vector<1x1x16xf32> to vector<16xf32>
            %swap3A_271 = vector.shape_cast %add3A_264 : vector<16xf32> to vector<1x1x16xf32>
            tpu.vector_store %arg7[%swap3A_266, %swap3A_267, %swap3A_268], %swap3A_271 {strides = array<i32>} : memref<2x128x128xf32, #tpu.memory_space<vmem>>, vector<1x1x16xf32>,
          }
          %scan3A_95 = arith.constant 128 : i32
          %sub3A_96 = arith.constant 0 : i32
          %sub3A_97 = arith.subi %add3A_35, %sub3A_96 : i32
          %mul3A_98 = arith.constant 128 : i32
          %mul3A_99 = arith.muli %sub3A_97, %mul3A_98 : i32
          %dma_start3A_100 = arith.constant 1 : i32
          %dma_start3A_101 = arith.constant 0 : i32
          %dma_start3A_102 = arith.constant 0 : i32
          %dma_start3A_103 = tpu.memref_slice %arg7[%dma_start3A_100, %dma_start3A_101, %dma_start3A_102] : memref<2x128x128xf32, #tpu.memory_space<vmem>> -> memref<1x128x128xf32, #tpu.memory_space<vmem>>
          %dma_start3A_104 = tpu.memref_squeeze %dma_start3A_103 : memref<1x128x128xf32, #tpu.memory_space<vmem>> -> memref<128x128xf32, #tpu.memory_space<vmem>>
          %dma_start3A_105 = arith.constant 0 : i32
          %dma_start3A_106 = tpu.memref_slice %arg5[%mul3A_99, %dma_start3A_105] : memref<160000x128xf32, #tpu.memory_space<hbm>> -> memref<128x128xf32, #tpu.memory_space<hbm>>
          %dma_start3A_107 = arith.constant 0 : i32
          %dma_start3A_108 = tpu.memref_slice %arg5[%mul3A_99, %dma_start3A_107] : memref<160000x128xf32, #tpu.memory_space<hbm>> -> memref<128x128xf32, #tpu.memory_space<hbm>>
          %dma_start3A_109 = arith.constant 0 : i32
          %dma_start3A_110 = arith.constant 0 : i32
          %dma_start3A_111 = tpu.memref_slice %arg7[%dma_start3A_100, %dma_start3A_109, %dma_start3A_110] : memref<2x128x128xf32, #tpu.memory_space<vmem>> -> memref<1x128x128xf32, #tpu.memory_space<vmem>>
          %dma_start3A_112 = tpu.memref_squeeze %dma_start3A_111 : memref<1x128x128xf32, #tpu.memory_space<vmem>> -> memref<128x128xf32, #tpu.memory_space<vmem>>
          tpu.enqueue_dma source(%dma_start3A_112 : memref<128x128xf32, #tpu.memory_space<vmem>>) target(%dma_start3A_108 : memref<128x128xf32, #tpu.memory_space<hbm>>) target_semaphore(%arg16 : memref<!tpu.dma_semaphore, #tpu.memory_space<semaphore_mem>>)
        } else {
        }
      } else {
      }
    }
    %scan3A_23 = arith.constant 42 : i32
    return
  }
}

module attributes {stable_mosaic.version = 14 : i64} {
  func.func @_proj_body(%arg0: i32, %arg1: memref<2000x128xf32, #tpu.memory_space<vmem>>, %arg2: memref<128x128xf32, #tpu.memory_space<vmem>>, %arg3: memref<128x128xf32, #tpu.memory_space<vmem>>, %arg4: memref<1x128xf32, #tpu.memory_space<vmem>>, %arg5: memref<2000x128xf32, #tpu.memory_space<vmem>>, %arg6: memref<2000x128xf32, #tpu.memory_space<vmem>>) attributes {dimension_semantics = [#tpu.dimension_semantics<arbitrary>], iteration_bounds = array<i64: 5>, scalar_prefetch = 0 : i64, scratch_operands = 0 : i64, tpu.core_type = #tpu.core_type<tc>, window_params = [{transform_indices = @transform_0, window_bounds = array<i64: 2000, 128>}, {pipeline_mode = #tpu.pipeline_mode<synchronous>, transform_indices = @transform_1, window_bounds = array<i64: 128, 128>}, {pipeline_mode = #tpu.pipeline_mode<synchronous>, transform_indices = @transform_2, window_bounds = array<i64: 128, 128>}, {pipeline_mode = #tpu.pipeline_mode<synchronous>, transform_indices = @transform_3, window_bounds = array<i64: 1, 128>}, {transform_indices = @transform_4, window_bounds = array<i64: 2000, 128>}, {transform_indices = @transform_5, window_bounds = array<i64: 2000, 128>}]} {
    %get3A = arith.constant 0 : index
    %get3A_0 = arith.constant 0 : index
    %get3A_1 = vector.load %arg1[%get3A, %get3A_0] : memref<2000x128xf32, #tpu.memory_space<vmem>>, vector<2000x128xf32>
    %get3A_2 = arith.constant 0 : index
    %get3A_3 = arith.constant 0 : index
    %get3A_4 = vector.load %arg2[%get3A_2, %get3A_3] : memref<128x128xf32, #tpu.memory_space<vmem>>, vector<128x128xf32>
    %dot_general3A = arith.constant dense<0.000000e+00> : vector<2000x128xf32>
    %dot_general3A_5 = tpu.matmul %get3A_1, %get3A_4, %dot_general3A {dimension_numbers = #tpu.dot_dimension_numbers<[1], [0], [0], [1], [0, 0, 1, 1], [], []>, transpose_lhs_hint = false} : vector<2000x128xf32>, vector<128x128xf32>, vector<2000x128xf32> -> vector<2000x128xf32>
    %get3A_6 = arith.constant 0 : index
    %get3A_7 = arith.constant 0 : index
    %get3A_8 = vector.load %arg4[%get3A_6, %get3A_7] : memref<1x128xf32, #tpu.memory_space<vmem>>, vector<1x128xf32>
    %add3A = vector.broadcast %get3A_8 : vector<1x128xf32> to vector<2000x128xf32>
    %add3A_9 = arith.addf %dot_general3A_5, %add3A : vector<2000x128xf32>
    %swap3A = arith.constant 0 : index
    %swap3A_10 = arith.constant 0 : index
    %swap3A_11 = vector.load %arg5[%swap3A, %swap3A_10] : memref<2000x128xf32, #tpu.memory_space<vmem>>, vector<2000x128xf32>
    tpu.vector_store %arg5[%swap3A, %swap3A_10], %add3A_9 {strides = array<i32>} : memref<2000x128xf32, #tpu.memory_space<vmem>>, vector<2000x128xf32>,
    %get3A_12 = arith.constant 0 : index
    %get3A_13 = arith.constant 0 : index
    %get3A_14 = vector.load %arg3[%get3A_12, %get3A_13] : memref<128x128xf32, #tpu.memory_space<vmem>>, vector<128x128xf32>
    %dot_general3A_15 = arith.constant dense<0.000000e+00> : vector<2000x128xf32>
    %dot_general3A_16 = tpu.matmul %get3A_1, %get3A_14, %dot_general3A_15 {dimension_numbers = #tpu.dot_dimension_numbers<[1], [0], [0], [1], [0, 0, 1, 1], [], []>, transpose_lhs_hint = false} : vector<2000x128xf32>, vector<128x128xf32>, vector<2000x128xf32> -> vector<2000x128xf32>
    %swap3A_17 = arith.constant 0 : index
    %swap3A_18 = arith.constant 0 : index
    %swap3A_19 = vector.load %arg6[%swap3A_17, %swap3A_18] : memref<2000x128xf32, #tpu.memory_space<vmem>>, vector<2000x128xf32>
    tpu.vector_store %arg6[%swap3A_17, %swap3A_18], %dot_general3A_16 {strides = array<i32>} : memref<2000x128xf32, #tpu.memory_space<vmem>>, vector<2000x128xf32>,
    return
  }
  func.func @transform_0(%arg0: i32) -> (i32, i32) {
    %c0_i32 = arith.constant 0 : i32
    %c0_i32_0 = arith.constant 0 : i32
    return %arg0, %c0_i32 : i32, i32
  }
  func.func @transform_1(%arg0: i32) -> (i32, i32) {
    %c0_i32 = arith.constant 0 : i32
    %c0_i32_0 = arith.constant 0 : i32
    %c0_i32_1 = arith.constant 0 : i32
    return %c0_i32, %c0_i32_0 : i32, i32
  }
  func.func @transform_2(%arg0: i32) -> (i32, i32) {
    %c0_i32 = arith.constant 0 : i32
    %c0_i32_0 = arith.constant 0 : i32
    %c0_i32_1 = arith.constant 0 : i32
    return %c0_i32, %c0_i32_0 : i32, i32
  }
  func.func @transform_3(%arg0: i32) -> (i32, i32) {
    %c0_i32 = arith.constant 0 : i32
    %c0_i32_0 = arith.constant 0 : i32
    %c0_i32_1 = arith.constant 0 : i32
    return %c0_i32, %c0_i32_0 : i32, i32
  }
  func.func @transform_4(%arg0: i32) -> (i32, i32) {
    %c0_i32 = arith.constant 0 : i32
    %c0_i32_0 = arith.constant 0 : i32
    return %arg0, %c0_i32 : i32, i32
  }
  func.func @transform_5(%arg0: i32) -> (i32, i32) {
    %c0_i32 = arith.constant 0 : i32
    %c0_i32_0 = arith.constant 0 : i32
    return %arg0, %c0_i32 : i32, i32
  }
}

module attributes {stable_mosaic.version = 14 : i64} {
  func.func @_edge_body(%arg0: i32, %arg1: memref<10000x128xf32, #tpu.memory_space<vmem>>, %arg2: memref<10000x128xf32, #tpu.memory_space<vmem>>, %arg3: memref<128x128xf32, #tpu.memory_space<vmem>>, %arg4: memref<128x128xf32, #tpu.memory_space<vmem>>, %arg5: memref<1x128xf32, #tpu.memory_space<vmem>>, %arg6: memref<10000x128xf32, #tpu.memory_space<vmem>>) attributes {dimension_semantics = [#tpu.dimension_semantics<arbitrary>], iteration_bounds = array<i64: 16>, scalar_prefetch = 0 : i64, scratch_operands = 0 : i64, tpu.core_type = #tpu.core_type<tc>, window_params = [{transform_indices = @transform_0, window_bounds = array<i64: 10000, 128>}, {transform_indices = @transform_1, window_bounds = array<i64: 10000, 128>}, {pipeline_mode = #tpu.pipeline_mode<synchronous>, transform_indices = @transform_2, window_bounds = array<i64: 128, 128>}, {pipeline_mode = #tpu.pipeline_mode<synchronous>, transform_indices = @transform_3, window_bounds = array<i64: 128, 128>}, {pipeline_mode = #tpu.pipeline_mode<synchronous>, transform_indices = @transform_4, window_bounds = array<i64: 1, 128>}, {transform_indices = @transform_5, window_bounds = array<i64: 10000, 128>}]} {
    %get3A = arith.constant 0 : index
    %get3A_0 = arith.constant 0 : index
    %get3A_1 = vector.load %arg1[%get3A, %get3A_0] : memref<10000x128xf32, #tpu.memory_space<vmem>>, vector<10000x128xf32>
    %get3A_2 = arith.constant 0 : index
    %get3A_3 = arith.constant 0 : index
    %get3A_4 = vector.load %arg2[%get3A_2, %get3A_3] : memref<10000x128xf32, #tpu.memory_space<vmem>>, vector<10000x128xf32>
    %get3A_5 = arith.constant 0 : index
    %get3A_6 = arith.constant 0 : index
    %get3A_7 = vector.load %arg3[%get3A_5, %get3A_6] : memref<128x128xf32, #tpu.memory_space<vmem>>, vector<128x128xf32>
    %dot_general3A = arith.constant dense<0.000000e+00> : vector<10000x128xf32>
    %dot_general3A_8 = tpu.matmul %get3A_4, %get3A_7, %dot_general3A {dimension_numbers = #tpu.dot_dimension_numbers<[1], [0], [0], [1], [0, 0, 1, 1], [], []>, transpose_lhs_hint = false} : vector<10000x128xf32>, vector<128x128xf32>, vector<10000x128xf32> -> vector<10000x128xf32>
    %add3A = arith.addf %get3A_1, %dot_general3A_8 : vector<10000x128xf32>
    %logistic3A = arith.negf %add3A : vector<10000x128xf32>
    %logistic3A_9 = math.exp %logistic3A : vector<10000x128xf32>
    %logistic3A_10 = arith.constant 1.000000e+00 : f32
    %logistic3A_11 = vector.broadcast %logistic3A_10 : f32 to vector<10000x128xf32>
    %logistic3A_12 = arith.addf %logistic3A_11, %logistic3A_9 : vector<10000x128xf32>
    %logistic3A_13 = arith.divf %logistic3A_11, %logistic3A_12 : vector<10000x128xf32>
    %mul3A = arith.mulf %add3A, %logistic3A_13 : vector<10000x128xf32>
    %get3A_14 = arith.constant 0 : index
    %get3A_15 = arith.constant 0 : index
    %get3A_16 = vector.load %arg4[%get3A_14, %get3A_15] : memref<128x128xf32, #tpu.memory_space<vmem>>, vector<128x128xf32>
    %dot_general3A_17 = arith.constant dense<0.000000e+00> : vector<10000x128xf32>
    %dot_general3A_18 = tpu.matmul %mul3A, %get3A_16, %dot_general3A_17 {dimension_numbers = #tpu.dot_dimension_numbers<[1], [0], [0], [1], [0, 0, 1, 1], [], []>, transpose_lhs_hint = false} : vector<10000x128xf32>, vector<128x128xf32>, vector<10000x128xf32> -> vector<10000x128xf32>
    %get3A_19 = arith.constant 0 : index
    %get3A_20 = arith.constant 0 : index
    %get3A_21 = vector.load %arg5[%get3A_19, %get3A_20] : memref<1x128xf32, #tpu.memory_space<vmem>>, vector<1x128xf32>
    %add3A_22 = vector.broadcast %get3A_21 : vector<1x128xf32> to vector<10000x128xf32>
    %add3A_23 = arith.addf %dot_general3A_18, %add3A_22 : vector<10000x128xf32>
    %swap3A = arith.constant 0 : index
    %swap3A_24 = arith.constant 0 : index
    %swap3A_25 = vector.load %arg6[%swap3A, %swap3A_24] : memref<10000x128xf32, #tpu.memory_space<vmem>>, vector<10000x128xf32>
    tpu.vector_store %arg6[%swap3A, %swap3A_24], %add3A_23 {strides = array<i32>} : memref<10000x128xf32, #tpu.memory_space<vmem>>, vector<10000x128xf32>,
    return
  }
  func.func @transform_0(%arg0: i32) -> (i32, i32) {
    %c0_i32 = arith.constant 0 : i32
    %c0_i32_0 = arith.constant 0 : i32
    return %arg0, %c0_i32 : i32, i32
  }
  func.func @transform_1(%arg0: i32) -> (i32, i32) {
    %c0_i32 = arith.constant 0 : i32
    %c0_i32_0 = arith.constant 0 : i32
    return %arg0, %c0_i32 : i32, i32
  }
  func.func @transform_2(%arg0: i32) -> (i32, i32) {
    %c0_i32 = arith.constant 0 : i32
    %c0_i32_0 = arith.constant 0 : i32
    %c0_i32_1 = arith.constant 0 : i32
    return %c0_i32, %c0_i32_0 : i32, i32
  }
  func.func @transform_3(%arg0: i32) -> (i32, i32) {
    %c0_i32 = arith.constant 0 : i32
    %c0_i32_0 = arith.constant 0 : i32
    %c0_i32_1 = arith.constant 0 : i32
    return %c0_i32, %c0_i32_0 : i32, i32
  }
  func.func @transform_4(%arg0: i32) -> (i32, i32) {
    %c0_i32 = arith.constant 0 : i32
    %c0_i32_0 = arith.constant 0 : i32
    %c0_i32_1 = arith.constant 0 : i32
    return %c0_i32, %c0_i32_0 : i32, i32
  }
  func.func @transform_5(%arg0: i32) -> (i32, i32) {
    %c0_i32 = arith.constant 0 : i32
    %c0_i32_0 = arith.constant 0 : i32
    return %arg0, %c0_i32 : i32, i32
  }
}

module attributes {stable_mosaic.version = 14 : i64} {
  func.func @_node_body(%arg0: i32, %arg1: memref<2000x128xf32, #tpu.memory_space<vmem>>, %arg2: memref<2000x128xf32, #tpu.memory_space<vmem>>, %arg3: memref<2000x128xf32, #tpu.memory_space<vmem>>, %arg4: memref<2000x1xi32, #tpu.memory_space<vmem>>, %arg5: memref<128x128xf32, #tpu.memory_space<vmem>>, %arg6: memref<128x128xf32, #tpu.memory_space<vmem>>, %arg7: memref<128x128xf32, #tpu.memory_space<vmem>>, %arg8: memref<128x128xf32, #tpu.memory_space<vmem>>, %arg9: memref<1x128xf32, #tpu.memory_space<vmem>>, %arg10: memref<128x128xf32, #tpu.memory_space<vmem>>, %arg11: memref<1x128xf32, #tpu.memory_space<vmem>>, %arg12: memref<128x128xf32, #tpu.memory_space<vmem>>, %arg13: memref<128x128xf32, #tpu.memory_space<vmem>>, %arg14: memref<1x128xf32, #tpu.memory_space<vmem>>, %arg15: memref<128x128xf32, #tpu.memory_space<vmem>>, %arg16: memref<1x128xf32, #tpu.memory_space<vmem>>, %arg17: memref<2000x128xf32, #tpu.memory_space<vmem>>, %arg18: memref<128x128xf32, #tpu.memory_space<vmem>>, %arg19: memref<128x128xf32, #tpu.memory_space<vmem>>, %arg20: memref<128x128xf32, #tpu.memory_space<vmem>>) attributes {dimension_semantics = [#tpu.dimension_semantics<arbitrary>], iteration_bounds = array<i64: 5>, scalar_prefetch = 0 : i64, scratch_operands = 2 : i64, tpu.core_type = #tpu.core_type<tc>, window_params = [{transform_indices = @transform_0, window_bounds = array<i64: 2000, 128>}, {transform_indices = @transform_1, window_bounds = array<i64: 2000, 128>}, {transform_indices = @transform_2, window_bounds = array<i64: 2000, 128>}, {transform_indices = @transform_3, window_bounds = array<i64: 2000, 1>}, {pipeline_mode = #tpu.pipeline_mode<synchronous>, transform_indices = @transform_4, window_bounds = array<i64: 128, 128>}, {pipeline_mode = #tpu.pipeline_mode<synchronous>, transform_indices = @transform_5, window_bounds = array<i64: 128, 128>}, {pipeline_mode = #tpu.pipeline_mode<synchronous>, transform_indices = @transform_6, window_bounds = array<i64: 128, 128>}, {pipeline_mode = #tpu.pipeline_mode<synchronous>, transform_indices = @transform_7, window_bounds = array<i64: 128, 128>}, {pipeline_mode = #tpu.pipeline_mode<synchronous>, transform_indices = @transform_8, window_bounds = array<i64: 1, 128>}, {pipeline_mode = #tpu.pipeline_mode<synchronous>, transform_indices = @transform_9, window_bounds = array<i64: 128, 128>}, {pipeline_mode = #tpu.pipeline_mode<synchronous>, transform_indices = @transform_10, window_bounds = array<i64: 1, 128>}, {pipeline_mode = #tpu.pipeline_mode<synchronous>, transform_indices = @transform_11, window_bounds = array<i64: 128, 128>}, {pipeline_mode = #tpu.pipeline_mode<synchronous>, transform_indices = @transform_12, window_bounds = array<i64: 128, 128>}, {pipeline_mode = #tpu.pipeline_mode<synchronous>, transform_indices = @transform_13, window_bounds = array<i64: 1, 128>}, {pipeline_mode = #tpu.pipeline_mode<synchronous>, transform_indices = @transform_14, window_bounds = array<i64: 128, 128>}, {pipeline_mode = #tpu.pipeline_mode<synchronous>, transform_indices = @transform_15, window_bounds = array<i64: 1, 128>}, {transform_indices = @transform_16, window_bounds = array<i64: 2000, 128>}, {pipeline_mode = #tpu.pipeline_mode<synchronous>, transform_indices = @transform_17, window_bounds = array<i64: 128, 128>}]} {
    %eq3A = arith.constant 0 : i32
    %eq3A_0 = arith.cmpi eq, %arg0, %eq3A : i32
    %convert_element_type3A = arith.extui %eq3A_0 : i1 to i32
    %cond3A = arith.constant 0 : i32
    %cond3A_1 = arith.cmpi ne, %convert_element_type3A, %cond3A : i32
    scf.if %cond3A_1 {
      %broadcast_in_dim3A_87 = arith.constant 0.000000e+00 : f32
      %broadcast_in_dim3A_88 = vector.broadcast %broadcast_in_dim3A_87 : f32 to vector<128x128xf32>
      %swap3A_89 = arith.constant 0 : index
      %swap3A_90 = arith.constant 0 : index
      %swap3A_91 = vector.load %arg19[%swap3A_89, %swap3A_90] : memref<128x128xf32, #tpu.memory_space<vmem>>, vector<128x128xf32>
      tpu.vector_store %arg19[%swap3A_89, %swap3A_90], %broadcast_in_dim3A_88 {strides = array<i32>} : memref<128x128xf32, #tpu.memory_space<vmem>>, vector<128x128xf32>,
      %broadcast_in_dim3A_92 = arith.constant 0.000000e+00 : f32
      %broadcast_in_dim3A_93 = vector.broadcast %broadcast_in_dim3A_92 : f32 to vector<128x128xf32>
      %swap3A_94 = arith.constant 0 : index
      %swap3A_95 = arith.constant 0 : index
      %swap3A_96 = vector.load %arg20[%swap3A_94, %swap3A_95] : memref<128x128xf32, #tpu.memory_space<vmem>>, vector<128x128xf32>
      tpu.vector_store %arg20[%swap3A_94, %swap3A_95], %broadcast_in_dim3A_93 {strides = array<i32>} : memref<128x128xf32, #tpu.memory_space<vmem>>, vector<128x128xf32>,
    } else {
    }
    %get3A = arith.constant 0 : index
    %get3A_2 = arith.constant 0 : index
    %get3A_3 = vector.load %arg4[%get3A, %get3A_2] : memref<2000x1xi32, #tpu.memory_space<vmem>>, vector<2000x1xi32>
    %iota3A = tpu.iota {dimensions = array<i32: 1>} : vector<2000x128xi32>
    %eq3A_4 = vector.broadcast %get3A_3 : vector<2000x1xi32> to vector<2000x128xi32>
    %eq3A_5 = arith.cmpi eq, %eq3A_4, %iota3A : vector<2000x128xi32>
    %convert_element_type3A_6 = arith.extui %eq3A_5 : vector<2000x128xi1> to vector<2000x128xi32>
    %convert_element_type3A_7 = arith.sitofp %convert_element_type3A_6 : vector<2000x128xi32> to vector<2000x128xf32>
    %get3A_8 = arith.constant 0 : index
    %get3A_9 = arith.constant 0 : index
    %get3A_10 = vector.load %arg5[%get3A_8, %get3A_9] : memref<128x128xf32, #tpu.memory_space<vmem>>, vector<128x128xf32>
    %get3A_11 = arith.constant 0 : index
    %get3A_12 = arith.constant 0 : index
    %get3A_13 = vector.load %arg8[%get3A_11, %get3A_12] : memref<128x128xf32, #tpu.memory_space<vmem>>, vector<128x128xf32>
    %dot_general3A = arith.constant dense<0.000000e+00> : vector<128x128xf32>
    %dot_general3A_14 = tpu.matmul %get3A_10, %get3A_13, %dot_general3A {dimension_numbers = #tpu.dot_dimension_numbers<[1], [0], [0], [1], [0, 0, 1, 1], [], []>, transpose_lhs_hint = false} : vector<128x128xf32>, vector<128x128xf32>, vector<128x128xf32> -> vector<128x128xf32>
    %get3A_15 = arith.constant 0 : index
    %get3A_16 = arith.constant 0 : index
    %get3A_17 = vector.load %arg2[%get3A_15, %get3A_16] : memref<2000x128xf32, #tpu.memory_space<vmem>>, vector<2000x128xf32>
    %get3A_18 = arith.constant 0 : index
    %get3A_19 = arith.constant 0 : index
    %get3A_20 = vector.load %arg3[%get3A_18, %get3A_19] : memref<2000x128xf32, #tpu.memory_space<vmem>>, vector<2000x128xf32>
    %add3A = arith.addf %get3A_17, %get3A_20 : vector<2000x128xf32>
    %mul3A = arith.constant 6.250000e-02 : f32
    %mul3A_21 = vector.broadcast %mul3A : f32 to vector<2000x128xf32>
    %mul3A_22 = arith.mulf %add3A, %mul3A_21 : vector<2000x128xf32>
    %get3A_23 = arith.constant 0 : index
    %get3A_24 = arith.constant 0 : index
    %get3A_25 = vector.load %arg1[%get3A_23, %get3A_24] : memref<2000x128xf32, #tpu.memory_space<vmem>>, vector<2000x128xf32>
    %get3A_26 = arith.constant 0 : index
    %get3A_27 = arith.constant 0 : index
    %get3A_28 = vector.load %arg6[%get3A_26, %get3A_27] : memref<128x128xf32, #tpu.memory_space<vmem>>, vector<128x128xf32>
    %dot_general3A_29 = arith.constant dense<0.000000e+00> : vector<2000x128xf32>
    %dot_general3A_30 = tpu.matmul %get3A_25, %get3A_28, %dot_general3A_29 {dimension_numbers = #tpu.dot_dimension_numbers<[1], [0], [0], [1], [0, 0, 1, 1], [], []>, transpose_lhs_hint = false} : vector<2000x128xf32>, vector<128x128xf32>, vector<2000x128xf32> -> vector<2000x128xf32>
    %get3A_31 = arith.constant 0 : index
    %get3A_32 = arith.constant 0 : index
    %get3A_33 = vector.load %arg7[%get3A_31, %get3A_32] : memref<128x128xf32, #tpu.memory_space<vmem>>, vector<128x128xf32>
    %dot_general3A_34 = arith.constant dense<0.000000e+00> : vector<2000x128xf32>
    %dot_general3A_35 = tpu.matmul %mul3A_22, %get3A_33, %dot_general3A_34 {dimension_numbers = #tpu.dot_dimension_numbers<[1], [0], [0], [1], [0, 0, 1, 1], [], []>, transpose_lhs_hint = false} : vector<2000x128xf32>, vector<128x128xf32>, vector<2000x128xf32> -> vector<2000x128xf32>
    %add3A_36 = arith.addf %dot_general3A_30, %dot_general3A_35 : vector<2000x128xf32>
    %dot_general3A_37 = arith.constant dense<0.000000e+00> : vector<2000x128xf32>
    %dot_general3A_38 = tpu.matmul %convert_element_type3A_7, %dot_general3A_14, %dot_general3A_37 {dimension_numbers = #tpu.dot_dimension_numbers<[1], [0], [0], [1], [0, 0, 1, 1], [], []>, transpose_lhs_hint = false} : vector<2000x128xf32>, vector<128x128xf32>, vector<2000x128xf32> -> vector<2000x128xf32>
    %add3A_39 = arith.addf %add3A_36, %dot_general3A_38 : vector<2000x128xf32>
    %get3A_40 = arith.constant 0 : index
    %get3A_41 = arith.constant 0 : index
    %get3A_42 = vector.load %arg9[%get3A_40, %get3A_41] : memref<1x128xf32, #tpu.memory_space<vmem>>, vector<1x128xf32>
    %add3A_43 = vector.broadcast %get3A_42 : vector<1x128xf32> to vector<2000x128xf32>
    %add3A_44 = arith.addf %add3A_39, %add3A_43 : vector<2000x128xf32>
    %logistic3A = arith.negf %add3A_44 : vector<2000x128xf32>
    %logistic3A_45 = math.exp %logistic3A : vector<2000x128xf32>
    %logistic3A_46 = arith.constant 1.000000e+00 : f32
    %logistic3A_47 = vector.broadcast %logistic3A_46 : f32 to vector<2000x128xf32>
    %logistic3A_48 = arith.addf %logistic3A_47, %logistic3A_45 : vector<2000x128xf32>
    %logistic3A_49 = arith.divf %logistic3A_47, %logistic3A_48 : vector<2000x128xf32>
    %mul3A_50 = arith.mulf %add3A_44, %logistic3A_49 : vector<2000x128xf32>
    %get3A_51 = arith.constant 0 : index
    %get3A_52 = arith.constant 0 : index
    %get3A_53 = vector.load %arg10[%get3A_51, %get3A_52] : memref<128x128xf32, #tpu.memory_space<vmem>>, vector<128x128xf32>
    %dot_general3A_54 = arith.constant dense<0.000000e+00> : vector<2000x128xf32>
    %dot_general3A_55 = tpu.matmul %mul3A_50, %get3A_53, %dot_general3A_54 {dimension_numbers = #tpu.dot_dimension_numbers<[1], [0], [0], [1], [0, 0, 1, 1], [], []>, transpose_lhs_hint = false} : vector<2000x128xf32>, vector<128x128xf32>, vector<2000x128xf32> -> vector<2000x128xf32>
    %get3A_56 = arith.constant 0 : index
    %get3A_57 = arith.constant 0 : index
    %get3A_58 = vector.load %arg11[%get3A_56, %get3A_57] : memref<1x128xf32, #tpu.memory_space<vmem>>, vector<1x128xf32>
    %add3A_59 = vector.broadcast %get3A_58 : vector<1x128xf32> to vector<2000x128xf32>
    %add3A_60 = arith.addf %dot_general3A_55, %add3A_59 : vector<2000x128xf32>
    %swap3A = arith.constant 0 : index
    %swap3A_61 = arith.constant 0 : index
    %swap3A_62 = vector.load %arg17[%swap3A, %swap3A_61] : memref<2000x128xf32, #tpu.memory_space<vmem>>, vector<2000x128xf32>
    tpu.vector_store %arg17[%swap3A, %swap3A_61], %add3A_60 {strides = array<i32>} : memref<2000x128xf32, #tpu.memory_space<vmem>>, vector<2000x128xf32>,
    %get3A_63 = arith.constant 0 : index
    %get3A_64 = arith.constant 0 : index
    %get3A_65 = vector.load %arg19[%get3A_63, %get3A_64] : memref<128x128xf32, #tpu.memory_space<vmem>>, vector<128x128xf32>
    %dot_general3A_66 = arith.constant dense<0.000000e+00> : vector<128x128xf32>
    %dot_general3A_67 = tpu.matmul %convert_element_type3A_7, %add3A_60, %dot_general3A_66 {dimension_numbers = #tpu.dot_dimension_numbers<[0], [0], [1], [1], [0, 1, 1, 1], [], []>, transpose_lhs_hint = false} : vector<2000x128xf32>, vector<2000x128xf32>, vector<128x128xf32> -> vector<128x128xf32>
    %add3A_68 = arith.addf %get3A_65, %dot_general3A_67 : vector<128x128xf32>
    %swap3A_69 = arith.constant 0 : index
    %swap3A_70 = arith.constant 0 : index
    %swap3A_71 = vector.load %arg19[%swap3A_69, %swap3A_70] : memref<128x128xf32, #tpu.memory_space<vmem>>, vector<128x128xf32>
    tpu.vector_store %arg19[%swap3A_69, %swap3A_70], %add3A_68 {strides = array<i32>} : memref<128x128xf32, #tpu.memory_space<vmem>>, vector<128x128xf32>,
    %get3A_72 = arith.constant 0 : index
    %get3A_73 = arith.constant 0 : index
    %get3A_74 = vector.load %arg20[%get3A_72, %get3A_73] : memref<128x128xf32, #tpu.memory_space<vmem>>, vector<128x128xf32>
    %broadcast_in_dim3A = arith.constant 1.000000e+00 : f32
    %broadcast_in_dim3A_75 = vector.broadcast %broadcast_in_dim3A : f32 to vector<2000x128xf32>
    %dot_general3A_76 = arith.constant dense<0.000000e+00> : vector<128x128xf32>
    %dot_general3A_77 = tpu.matmul %convert_element_type3A_7, %broadcast_in_dim3A_75, %dot_general3A_76 {dimension_numbers = #tpu.dot_dimension_numbers<[0], [0], [1], [1], [0, 1, 1, 1], [], []>, transpose_lhs_hint = false} : vector<2000x128xf32>, vector<2000x128xf32>, vector<128x128xf32> -> vector<128x128xf32>
    %add3A_78 = arith.addf %get3A_74, %dot_general3A_77 : vector<128x128xf32>
    %swap3A_79 = arith.constant 0 : index
    %swap3A_80 = arith.constant 0 : index
    %swap3A_81 = vector.load %arg20[%swap3A_79, %swap3A_80] : memref<128x128xf32, #tpu.memory_space<vmem>>, vector<128x128xf32>
    tpu.vector_store %arg20[%swap3A_79, %swap3A_80], %add3A_78 {strides = array<i32>} : memref<128x128xf32, #tpu.memory_space<vmem>>, vector<128x128xf32>,
    %eq3A_82 = arith.constant 4 : i32
    %eq3A_83 = arith.cmpi eq, %arg0, %eq3A_82 : i32
    %convert_element_type3A_84 = arith.extui %eq3A_83 : i1 to i32
    %cond3A_85 = arith.constant 0 : i32
    %cond3A_86 = arith.cmpi ne, %convert_element_type3A_84, %cond3A_85 : i32
    scf.if %cond3A_86 {
      %get3A_87 = arith.constant 0 : index
      %get3A_88 = arith.constant 0 : index
      %get3A_89 = vector.load %arg19[%get3A_87, %get3A_88] : memref<128x128xf32, #tpu.memory_space<vmem>>, vector<128x128xf32>
      %get3A_90 = arith.constant 0 : index
      %get3A_91 = arith.constant 0 : index
      %get3A_92 = vector.load %arg20[%get3A_90, %get3A_91] : memref<128x128xf32, #tpu.memory_space<vmem>>, vector<128x128xf32>
      %max3A = arith.constant 1.000000e+00 : f32
      %max3A_93 = vector.broadcast %max3A : f32 to vector<128x128xf32>
      %max3A_94 = arith.maximumf %get3A_92, %max3A_93 : vector<128x128xf32>
      %div3A = arith.divf %get3A_89, %max3A_94 : vector<128x128xf32>
      %get3A_95 = arith.constant 0 : index
      %get3A_96 = arith.constant 0 : index
      %get3A_97 = vector.load %arg5[%get3A_95, %get3A_96] : memref<128x128xf32, #tpu.memory_space<vmem>>, vector<128x128xf32>
      %get3A_98 = arith.constant 0 : index
      %get3A_99 = arith.constant 0 : index
      %get3A_100 = vector.load %arg12[%get3A_98, %get3A_99] : memref<128x128xf32, #tpu.memory_space<vmem>>, vector<128x128xf32>
      %dot_general3A_101 = arith.constant dense<0.000000e+00> : vector<128x128xf32>
      %dot_general3A_102 = tpu.matmul %get3A_97, %get3A_100, %dot_general3A_101 {dimension_numbers = #tpu.dot_dimension_numbers<[1], [0], [0], [1], [0, 0, 1, 1], [], []>, transpose_lhs_hint = false} : vector<128x128xf32>, vector<128x128xf32>, vector<128x128xf32> -> vector<128x128xf32>
      %get3A_103 = arith.constant 0 : index
      %get3A_104 = arith.constant 0 : index
      %get3A_105 = vector.load %arg13[%get3A_103, %get3A_104] : memref<128x128xf32, #tpu.memory_space<vmem>>, vector<128x128xf32>
      %dot_general3A_106 = arith.constant dense<0.000000e+00> : vector<128x128xf32>
      %dot_general3A_107 = tpu.matmul %div3A, %get3A_105, %dot_general3A_106 {dimension_numbers = #tpu.dot_dimension_numbers<[1], [0], [0], [1], [0, 0, 1, 1], [], []>, transpose_lhs_hint = false} : vector<128x128xf32>, vector<128x128xf32>, vector<128x128xf32> -> vector<128x128xf32>
      %add3A_108 = arith.addf %dot_general3A_102, %dot_general3A_107 : vector<128x128xf32>
      %get3A_109 = arith.constant 0 : index
      %get3A_110 = arith.constant 0 : index
      %get3A_111 = vector.load %arg14[%get3A_109, %get3A_110] : memref<1x128xf32, #tpu.memory_space<vmem>>, vector<1x128xf32>
      %add3A_112 = vector.broadcast %get3A_111 : vector<1x128xf32> to vector<128x128xf32>
      %add3A_113 = arith.addf %add3A_108, %add3A_112 : vector<128x128xf32>
      %logistic3A_114 = arith.negf %add3A_113 : vector<128x128xf32>
      %logistic3A_115 = math.exp %logistic3A_114 : vector<128x128xf32>
      %logistic3A_116 = arith.constant 1.000000e+00 : f32
      %logistic3A_117 = vector.broadcast %logistic3A_116 : f32 to vector<128x128xf32>
      %logistic3A_118 = arith.addf %logistic3A_117, %logistic3A_115 : vector<128x128xf32>
      %logistic3A_119 = arith.divf %logistic3A_117, %logistic3A_118 : vector<128x128xf32>
      %mul3A_120 = arith.mulf %add3A_113, %logistic3A_119 : vector<128x128xf32>
      %get3A_121 = arith.constant 0 : index
      %get3A_122 = arith.constant 0 : index
      %get3A_123 = vector.load %arg15[%get3A_121, %get3A_122] : memref<128x128xf32, #tpu.memory_space<vmem>>, vector<128x128xf32>
      %dot_general3A_124 = arith.constant dense<0.000000e+00> : vector<128x128xf32>
      %dot_general3A_125 = tpu.matmul %mul3A_120, %get3A_123, %dot_general3A_124 {dimension_numbers = #tpu.dot_dimension_numbers<[1], [0], [0], [1], [0, 0, 1, 1], [], []>, transpose_lhs_hint = false} : vector<128x128xf32>, vector<128x128xf32>, vector<128x128xf32> -> vector<128x128xf32>
      %get3A_126 = arith.constant 0 : index
      %get3A_127 = arith.constant 0 : index
      %get3A_128 = vector.load %arg16[%get3A_126, %get3A_127] : memref<1x128xf32, #tpu.memory_space<vmem>>, vector<1x128xf32>
      %add3A_129 = vector.broadcast %get3A_128 : vector<1x128xf32> to vector<128x128xf32>
      %add3A_130 = arith.addf %dot_general3A_125, %add3A_129 : vector<128x128xf32>
      %swap3A_131 = arith.constant 0 : index
      %swap3A_132 = arith.constant 0 : index
      %swap3A_133 = vector.load %arg18[%swap3A_131, %swap3A_132] : memref<128x128xf32, #tpu.memory_space<vmem>>, vector<128x128xf32>
      tpu.vector_store %arg18[%swap3A_131, %swap3A_132], %add3A_130 {strides = array<i32>} : memref<128x128xf32, #tpu.memory_space<vmem>>, vector<128x128xf32>,
    } else {
    }
    return
  }
  func.func @transform_0(%arg0: i32) -> (i32, i32) {
    %c0_i32 = arith.constant 0 : i32
    %c0_i32_0 = arith.constant 0 : i32
    return %arg0, %c0_i32 : i32, i32
  }
  func.func @transform_1(%arg0: i32) -> (i32, i32) {
    %c0_i32 = arith.constant 0 : i32
    %c0_i32_0 = arith.constant 0 : i32
    return %arg0, %c0_i32 : i32, i32
  }
  func.func @transform_2(%arg0: i32) -> (i32, i32) {
    %c0_i32 = arith.constant 0 : i32
    %c0_i32_0 = arith.constant 0 : i32
    return %arg0, %c0_i32 : i32, i32
  }
  func.func @transform_3(%arg0: i32) -> (i32, i32) {
    %c0_i32 = arith.constant 0 : i32
    %c0_i32_0 = arith.constant 0 : i32
    return %arg0, %c0_i32 : i32, i32
  }
  func.func @transform_4(%arg0: i32) -> (i32, i32) {
    %c0_i32 = arith.constant 0 : i32
    %c0_i32_0 = arith.constant 0 : i32
    %c0_i32_1 = arith.constant 0 : i32
    return %c0_i32, %c0_i32_0 : i32, i32
  }
  func.func @transform_5(%arg0: i32) -> (i32, i32) {
    %c0_i32 = arith.constant 0 : i32
    %c0_i32_0 = arith.constant 0 : i32
    %c0_i32_1 = arith.constant 0 : i32
    return %c0_i32, %c0_i32_0 : i32, i32
  }
  func.func @transform_6(%arg0: i32) -> (i32, i32) {
    %c0_i32 = arith.constant 0 : i32
    %c0_i32_0 = arith.constant 0 : i32
    %c0_i32_1 = arith.constant 0 : i32
    return %c0_i32, %c0_i32_0 : i32, i32
  }
  func.func @transform_7(%arg0: i32) -> (i32, i32) {
    %c0_i32 = arith.constant 0 : i32
    %c0_i32_0 = arith.constant 0 : i32
    %c0_i32_1 = arith.constant 0 : i32
    return %c0_i32, %c0_i32_0 : i32, i32
  }
  func.func @transform_8(%arg0: i32) -> (i32, i32) {
    %c0_i32 = arith.constant 0 : i32
    %c0_i32_0 = arith.constant 0 : i32
    %c0_i32_1 = arith.constant 0 : i32
    return %c0_i32, %c0_i32_0 : i32, i32
  }
  func.func @transform_9(%arg0: i32) -> (i32, i32) {
    %c0_i32 = arith.constant 0 : i32
    %c0_i32_0 = arith.constant 0 : i32
    %c0_i32_1 = arith.constant 0 : i32
    return %c0_i32, %c0_i32_0 : i32, i32
  }
  func.func @transform_10(%arg0: i32) -> (i32, i32) {
    %c0_i32 = arith.constant 0 : i32
    %c0_i32_0 = arith.constant 0 : i32
    %c0_i32_1 = arith.constant 0 : i32
    return %c0_i32, %c0_i32_0 : i32, i32
  }
  func.func @transform_11(%arg0: i32) -> (i32, i32) {
    %c0_i32 = arith.constant 0 : i32
    %c0_i32_0 = arith.constant 0 : i32
    %c0_i32_1 = arith.constant 0 : i32
    return %c0_i32, %c0_i32_0 : i32, i32
  }
  func.func @transform_12(%arg0: i32) -> (i32, i32) {
    %c0_i32 = arith.constant 0 : i32
    %c0_i32_0 = arith.constant 0 : i32
    %c0_i32_1 = arith.constant 0 : i32
    return %c0_i32, %c0_i32_0 : i32, i32
  }
  func.func @transform_13(%arg0: i32) -> (i32, i32) {
    %c0_i32 = arith.constant 0 : i32
    %c0_i32_0 = arith.constant 0 : i32
    %c0_i32_1 = arith.constant 0 : i32
    return %c0_i32, %c0_i32_0 : i32, i32
  }
  func.func @transform_14(%arg0: i32) -> (i32, i32) {
    %c0_i32 = arith.constant 0 : i32
    %c0_i32_0 = arith.constant 0 : i32
    %c0_i32_1 = arith.constant 0 : i32
    return %c0_i32, %c0_i32_0 : i32, i32
  }
  func.func @transform_15(%arg0: i32) -> (i32, i32) {
    %c0_i32 = arith.constant 0 : i32
    %c0_i32_0 = arith.constant 0 : i32
    %c0_i32_1 = arith.constant 0 : i32
    return %c0_i32, %c0_i32_0 : i32, i32
  }
  func.func @transform_16(%arg0: i32) -> (i32, i32) {
    %c0_i32 = arith.constant 0 : i32
    %c0_i32_0 = arith.constant 0 : i32
    return %arg0, %c0_i32 : i32, i32
  }
  func.func @transform_17(%arg0: i32) -> (i32, i32) {
    %c0_i32 = arith.constant 0 : i32
    %c0_i32_0 = arith.constant 0 : i32
    %c0_i32_1 = arith.constant 0 : i32
    return %c0_i32, %c0_i32_0 : i32, i32
  }
}

</mosaic_0001>

<sc_bundles>
// kernel: sc_gather_0.3.cloned.1.call-start
scs
__scs_entry_jumppad:
0x0: {  	(pc) =	sbr.rel $0x88, $3  }
0x1: {  	(tag) =	ssettag $0x0;
	lr =	simm.s32 $0x1  }
0x2: {  	[smem:$0x3F90] =	sst lr;
	_ =	strace $0xD0000000  }
0x3: {  	_ = 	snop  }
0x4: {  	_ = 	snop  }
0x5: {  	_ = 	snop  }
0x6: {  	_ = 	snop  }
0x7: {  	_ = 	snop  }
__scs_overlays_trampoline_lowered:
0x8: {  	[smem:$0x3F9F] =	sst s0  }
0x9: {  	[smem:$0x3FA0] =	sst s1  }
0xa: {  	[smem:$0x3FA1] =	sst s2  }
0xb: {  	[smem:$0x3FA2] =	sst s3  }
0xc: {  	[smem:$0x3FA3] =	sst s4  }
0xd: {  	[smem:$0x3FA4] =	sst s5  }
0xe: {  	[smem:$0x3FA5] =	sst s6  }
0xf: {  	[smem:$0x3FA6] =	sst s7  }
0x10: {  	[smem:$0x3FA7] =	sst s8  }
0x11: {  	[smem:$0x3FA8] =	sst s9;
	s0 =	simm.s32 @!p0 $0x0  }
0x12: {  	s1 =	sld [smem:$0x3F8E];
	s0 =	simm.s32 @p0 $0x1  }
0x13: {  	[smem:$0x3FA9] =	sst s0;
	s0 =	simm.s32 @!p1 $0x0  }
0x14: {  	s2 =	sld [smem:$0x3F8D];
	s0 =	simm.s32 @p1 $0x1  }
0x15: {  	[smem:$0x3FAA] =	sst s0;
	s0 =	simm.s32 @!p2 $0x0  }
0x16: {  	s3 =	sld [smem:$0x3FDB];
	s0 =	simm.s32 @p2 $0x1  }
0x17: {  	s4 =	simm.s32 $0x1BF5;
	[smem:$0x3FAC] =	sst s0  }
0x18: {  	s0 =	sld [smem:$0x3F8F];
	_ =	swait.ge [sflag:s4], $0x0  }
0x19: {  	s7 =	sld [smem:$0x3F90]  }
0x1a: {  	s8 =	sadd.s32 $0xFFFFE003, lr  }
0x1b: {  	s9 =	sadd.s32 $0xFFFFFEF7, lr;
	s5 =	simm.s32 $0xFFFFFFFF;
	p2 =	slt.u32 s8, $0xFFFFF086  }
0x1c: {  	p1 =	slt.u32 s9, $0xF7A;
	s5 =	simm.s32 @!p2 $0x0  }
0x1d: {  	s5 =	simm.s32 @p1 $0x1;
	p0 =	seq.s32 s7, s2  }
0x1e: {  	s7 =	smul.u32 @!p0 $0xF7A, s2;
	p2 =	seq.s32 @!p0 s5, $0x0  }
0x1f: {  	s9 =	smul.u32 $0xF7A, s1;
	s8 =	simm.s32 @!p0 $0x1BF5;
	p2 =	por !p2, p0  }
0x20: {  	[sflag:s8] =	ssyncset.s32 @!p0 $0xFFFFF086;
	s6 =	sadd.s32 @!p0 s3, s7;
	s7 =	simm.s32 @!p0 $0x108  }
0x21: {  	s3 =	sadd.s32 s3, s9;
	s6 =	sadd.s32 @!p0 $0x88, s6;
	s7 =	simm.s32 @p2 $0x1082  }
0x22: {  	[simem:s7], [sflag:s8] =	dma.local @!p0 [hbm:s6], $0xF7A  }
0x23: {  	s9 =	sor.u32 $0xD0000000, s2;
	s6 =	simm.s32 $0x108;
	_ =	swait.ge @!p0 [sflag:s8], $0x0  }
0x24: {  	s3 =	sadd.s32 $0x88, s3;
	s6 =	simm.s32 @!p1 $0x1082;
	[sflag:s4] =	ssyncset.s32 $0xFFFFF086  }
0x25: {  	[simem:s6], [sflag:s4] =	dma.local [hbm:s3], $0xF7A  }
0x26: {  	[smem:$0x3F90] =	sst s1;
	(tag) =	ssettag s2;
	_ =	strace s9  }
0x27: {  	s1 =	sld [smem:$0x3FA0]  }
0x28: {  	s2 =	sld [smem:$0x3FA1]  }
0x29: {  	s4 =	sld [smem:$0x3FA3]  }
0x2a: {  	p0 =	seq.s32 s5, $0x0;
	s5 =	sld [smem:$0x3FA4]  }
0x2b: {  	s6 =	sld [smem:$0x3FA5]  }
0x2c: {  	s7 =	sld [smem:$0x3FA6]  }
0x2d: {  	s3 =	simm.s32 $0x108;
	s8 =	sld [smem:$0x3FA7]  }
0x2e: {  	s3 =	simm.s32 @!p0 $0x1082;
	s9 =	sld [smem:$0x3FA8]  }
0x2f: {  	lr =	sadd.s32 s0, s3;
	s0 =	sld [smem:$0x3F9F]  }
0x30: {  	s3 =	sld [smem:$0x3FA2]  }
0x31: {  	[smem:$0x3FAB] =	sst s10  }
0x32: {  	s10 =	sld [smem:$0x3FA9];
	_ =	sdelay $0x3  }
0x33: {  	p0 =	seq.s32 s10, $0x1;
	s10 =	sld [smem:$0x3FAB];
	_ =	sdelay $0x3  }
0x34: {  	[smem:$0x3FAB] =	sst s10  }
0x35: {  	s10 =	sld [smem:$0x3FAA];
	_ =	sdelay $0x3  }
0x36: {  	p1 =	seq.s32 s10, $0x1;
	s10 =	sld [smem:$0x3FAB];
	_ =	sdelay $0x3  }
0x37: {  	[smem:$0x3FAB] =	sst s10  }
0x38: {  	s10 =	sld [smem:$0x3FAC]  }
0x39: {  	_ = 	snop;
	(pc) =	sbr.ind lr, $3  }
0x3a: {  	_ = 	snop  }
0x3b: {  	_ = 	snop  }
0x3c: {  	p2 =	seq.s32 s10, $0x1;
	s10 =	sld [smem:$0x3FAB]  }
0x3d: {  	_ =	shalt  }
0x3e: {  	_ =	shalt  }
0x3f: {  	_ =	shalt  }
0x40: {  	_ =	shalt  }
0x41: {  	_ =	shalt  }
0x42: {  	_ =	shalt  }
0x43: {  	_ =	shalt  }
0x44: {  	_ =	shalt  }
0x45: {  	_ =	shalt  }
0x46: {  	_ =	shalt  }
0x47: {  	_ =	shalt  }
0x48: {  	_ =	shalt  }
0x49: {  	_ =	shalt  }
0x4a: {  	_ =	shalt  }
0x4b: {  	_ =	shalt  }
0x4c: {  	_ =	shalt  }
0x4d: {  	_ =	shalt  }
0x4e: {  	_ =	shalt  }
0x4f: {  	_ =	shalt  }
0x50: {  	_ =	shalt  }
0x51: {  	_ =	shalt  }
0x52: {  	_ =	shalt  }
0x53: {  	_ =	shalt  }
0x54: {  	_ =	shalt  }
0x55: {  	_ =	shalt  }
0x56: {  	_ =	shalt  }
0x57: {  	_ =	shalt  }
0x58: {  	_ =	shalt  }
0x59: {  	_ =	shalt  }
0x5a: {  	_ =	shalt  }
0x5b: {  	_ =	shalt  }
0x5c: {  	_ =	shalt  }
0x5d: {  	_ =	shalt  }
0x5e: {  	_ =	shalt  }
0x5f: {  	_ =	shalt  }
0x60: {  	_ =	shalt  }
0x61: {  	_ =	shalt  }
0x62: {  	_ =	shalt  }
0x63: {  	_ =	shalt  }
0x64: {  	_ =	shalt  }
0x65: {  	_ =	shalt  }
0x66: {  	_ =	shalt  }
0x67: {  	_ =	shalt  }
0x68: {  	_ =	shalt  }
0x69: {  	_ =	shalt  }
0x6a: {  	_ =	shalt  }
0x6b: {  	_ =	shalt  }
0x6c: {  	_ =	shalt  }
0x6d: {  	_ =	shalt  }
0x6e: {  	_ =	shalt  }
0x6f: {  	_ =	shalt  }
0x70: {  	_ =	shalt  }
0x71: {  	_ =	shalt  }
0x72: {  	_ =	shalt  }
0x73: {  	_ =	shalt  }
0x74: {  	_ =	shalt  }
0x75: {  	_ =	shalt  }
0x76: {  	_ =	shalt  }
0x77: {  	_ =	shalt  }
0x78: {  	_ =	shalt  }
0x79: {  	_ =	shalt  }
0x7a: {  	_ =	shalt  }
0x7b: {  	_ =	shalt  }
0x7c: {  	_ =	shalt  }
0x7d: {  	_ =	shalt  }
0x7e: {  	_ =	shalt  }
0x7f: {  	_ =	shalt  }
0x80: {  	_ =	shalt  }
0x81: {  	_ =	shalt  }
0x82: {  	_ =	shalt  }
0x83: {  	_ =	shalt  }
0x84: {  	_ =	shalt  }
0x85: {  	_ =	shalt  }
0x86: {  	_ =	shalt  }
0x87: {  	_ =	shalt  }
.Lfunc_end0:
.L_simem_size_0:
called_computation_lowered:
.L_overlay_start_0:
0x88: {  	s2 =	sld [smem:$0x3FD9]  }
0x89: {  	s3 =	sld [smem:$0x3FFE];
	_ =	sdelay $0x1  }
0x8a: {  	s1 =	srdreg.scid  }
0x8b: {  	s0 =	sand.u32 $0x1, s1  }
0x8c: {  	s14 =	sshll.u32 s0, $0xA;
	s2 =	sadd.s32 s3, s2  }
0x8d: {  	s2 =	sadd.s32 s2, s14  }
0x8e: {  	[smem:$0x3FB7] =	sst s2  }
0x8f: {  	_ = 	snop  }
0x90: {  	s2 =	sld [smem:$0x3FD0];
	_ =	sdelay $0x2  }
0x91: {  	s15 =	simm.s32 $0xA;
	s4 =	simm.s32 $0x10  }
0x92: {  	[smem:s4], [sflag:s15] =	dma.local [hbm:s2], $0x1  }
0x93: {  	_ =	swait.eq [sflag:s15], $0x1  }
0x94: {  	[sflag:s15] =	ssyncset.done $0x0  }
0x95: {  	s16 =	sld [smem:$0x10];
	[sflag:s15] =	ssyncadd.s32 $0xFFFFFFFF  }
0x96: {  	s17 =	sld [smem:$0x11];
	(tm) =	ssettm $0x1  }
0x97: {  	s18 =	sld [smem:$0x3FFB];
	_ =	sdelay $0x3  }
0x98: {  	_ =	strace s18  }
0x99: {  	s4 =	sld [smem:$0x3FFC];
	_ =	sdelay $0x3  }
0x9a: {  	_ =	strace s4  }
0x9b: {  	s4 =	sld [smem:$0x3FFD];
	_ =	sdelay $0x3  }
0x9c: {  	_ =	strace s4  }
0x9d: {  	_ =	strace $0x8FFFFFFF  }
0x9e: {  	s19 =	sld [smem:$0x3FDB];
	_ =	sdelay $0x1  }
0x9f: {  	s5 =	simm.s32 $_scs_section_size  }
0xa0: {  	s6 =	simm.s32 $_size__tile_overlayer_lowered;
	s7 =	simm.s32 $_tile_overlayer_lowered  }
0xa1: {  	s22 =	simm.s32 $0x1BFF;
	s21 =	sshll.u32 s7, $0x1;
	s4 =	sadd.s32 s5, s19  }
0xa2: {  	s8 =	simm.s32 $0x0;
	s20 =	sshll.u32 s6, $0x1;
	s6 =	sadd.s32 s21, s4  }
0xa3: {  	[timem:s8], [sflag:s22] =	dma.local [hbm:s6], s20  }
0xa4: {  	_ =	swait.ge [sflag:s22], s20  }
0xa5: {  	s5 =	ssub.s32 $0x0, s20;
	[sflag:s22] =	ssyncset.done $0x0  }
0xa6: {  	[sflag:s22] =	ssyncadd.s32 s5;
	_ =	sdelay $0x1  }
0xa7: {  	s23 =	simm.s32 $0x1B8B  }
0xa8: {  	_ =	swait.ge [sflag:s23], $0x1  }
0xa9: {  	[sflag:s23] =	ssyncset.done $0x0  }
0xaa: {  	s25 =	simm.s32 $0x1B8E;
	s24 =	sld [smem:$0x3FFE];
	[sflag:s23] =	ssyncadd.s32 $0xFFFFFFFF  }
0xab: {  	s26 =	simm.s32 $execute0_lowered;
	[smem:$0x3FD2] =	sst s25  }
0xac: {  	s6 =	sshll.u32 s26, $0x1;
	_ =	strace $0x80000046;
	[dreg:$0x1] =	wrdreg $0xFFFFFFFF  }
0xad: {  	s28 =	simm.s32 $_size_execute0_lowered;
	s4 =	sadd.s32 s4, s6;
	[dreg:$0x0] =	wrdreg $0x0  }
0xae: {  	s6 =	sshll.u32 s28, $0x1;
	[dreg:$0x2] =	wrdreg s4  }
0xaf: {  	[dreg:$0x3] =	wrdreg s6  }
0xb0: {  	[dreg:$0x4] =	wrdreg $0xC0  }
0xb1: {  	_ =	task [dreg:s8], $0x5FFFF  }
0xb2: {  	[dreg:$0x1] =	wrdreg $0xFFFFFFFF  }
0xb3: {  	[dreg:$0x0] =	wrdreg $0x60  }
0xb4: {  	[dreg:$0x2] =	wrdreg s16  }
0xb5: {  	[dreg:$0x3] =	wrdreg s17  }
0xb6: {  	[dreg:$0x4] =	wrdreg s24  }
0xb7: {  	[dreg:$0x5] =	wrdreg $0x9  }
0xb8: {  	_ =	task.clear_ibuf [dreg:s8], $0x6FFFF;
	_ =	strace $0x90000046  }
0xb9: {  	s29 =	simm.s32 $0x9;
	_ =	strace $0x80000048  }
0xba: {  	_ =	swait.ge [sflag:s29], $0x1  }
0xbb: {  	[sflag:s29] =	ssyncadd.s32 $0xFFFFFFFF  }
0xbc: {  	_ =	strace $0x90000048  }
0xbd: {  	_ =	sfence  }
0xbe: {  	s30 =	sld [smem:$0x0];
	_ =	sdelay $0x2  }
0xbf: {  	s31 =	sshll.u32 s1, $0xD;
	s1 =	sshrl.u32 s1, $0x2  }
0xc0: {  	s3 =	sand.u32 $0x4000, s31;
	s1 =	sadd.s32 s1, s30  }
0xc1: {  	s0 =	sor.u32 s3, s0;
	s1 =	sshll.u32 s1, $0x11  }
0xc2: {  	s0 =	sor.u32 s1, s0  }
0xc3: {  	s0 =	sadd.s32 $0x8F2B, s0  }
0xc4: {  	[sflag:s0] =	ssyncadd.remote.s32 $0x1  }
0xc5: {  	_ =	sfence.sel $0xFFFF  }
0xc6: {  	[dreg:$0x0] =	wrdreg $0xFFFFFFFF;
	(pc) =	sbr.abs _section_cstart, $3  }
0xc7: {  	[dreg:$0x1] =	wrdreg $0xFFFFFFFF  }
0xc8: {  	_ =	task.clear_ibuf [dreg:s8], $0x2FFFF;
	_ =	strace $0x9FFFFFFF  }
0xc9: {  	(tm) =	ssettm $0x7FFFFFFF  }
tec
execute0_lowered:
.L_overlay_start_1:
0x0: {  	(tag) =	ssettag $0x1  }
0x1: {  	s1 =	rddreg [dreg:$0x0]  }
0x2: {  	s2 =	rddreg [dreg:$0x1]  }
0x3: {  	s7 =	rddreg [dreg:$0x2]  }
0x4: {  	s0 =	rddreg [dreg:$0x3];
	s4 =	simm.s32 $0x0  }
0x5: {  	s5 =	srdreg.scid;
	s3 =	stileid.u32;
	s12 =	simm.s32 $0x4200  }
0x6: {  	s13 =	simm.s32 $0x200;
	s14 =	simm.s32 $0x0;
	[smem:$0x7FF] =	sst s4  }
.Ltmp0:
0x7: {  	s5 =	sand.u32 $0x1, s5;
	s6 =	sshll.u32 s3, $0x1;
	(pc) =	sbr.rel .LBB2_1-.Ltmp0, $4  }
0x8: {  	_ =	strace $0x80000047;
	s8 =	ssub.s32 $0x2, s5;
	s5 =	sor.u32 s5, s6  }
0x9: {  	s6 =	sadd.s32 $0x8800, s7;
	s9 =	sshrl.u32 s8, $0x1;
	s10 =	sshll.u32 s5, $0x5  }
0xa: {  	s7 =	sadd.s32 $0x12600, s7;
	s11 =	ssub.s32 s8, s9;
	s8 =	sadd.s32 s6, s10  }
0xb: {  	s9 =	sor.u32 $0xFFFFFFE0, s5;
	s10 =	smax.u32 s11, $0x1;
	s11 =	ssub.s32 $0x522, s5  }
.LBB2_11:
0xc: {  	s14 =	sadd.s32 $0x1, s14  }
0xd: {  	p0 =	sne.s32 s14, s10  }
.Ltmp1:
0xe: {  	_ = 	snop;
	(pc) =	sbr.rel @!p0 .LBB2_12-.Ltmp1, $1  }
0xf: {  	_ =	sdelay $0x3  }
.LBB2_1:
.Ltmp2:
0x10: {  	(pc) =	sbr.rel .LBB2_2-.Ltmp2, $3  }
0x11: {  	_ =	sdelay $0x1  }
0x12: {  	[tilespmem:s4], [sflag:$0x1] =	stream.linear.gather [hbm4b:s8+s4], $0x100, $0x38;
	[tilespmem:$0x10200] =	vst v63  }
0x13: {  	s15 =	simm.s32 $0x0  }
.LBB2_6:
0x14: {  	[tilespmem:s17+$0x200] =	vst v12;
	v5 =	vadd.f32 v5, v10;
	v63 =	vld [tilespmem:s17+$0x270]  }
0x15: {  	[tilespmem:s17+$0x210] =	vst v11;
	v4 =	vadd.f32 v4, v9  }
0x16: {  	v3 =	vadd.f32 v3, v8;
	[tilespmem:s17+$0x220] =	vst v5  }
0x17: {  	v2 =	vadd.f32 v2, v6;
	[tilespmem:s17+$0x230] =	vst v4  }
0x18: {  	v1 =	vadd.f32 v1, v7;
	[tilespmem:s17+$0x240] =	vst v3  }
0x19: {  	s16 =	sshll.u32 s16, $0xB;
	[tilespmem:s17+$0x250] =	vst v2;
	v0 =	vadd.f32 v0, v63  }
0x1a: {  	s16 =	sand.u32 $0x1FFFF800, s16;
	[tilespmem:s17+$0x260] =	vst v1  }
0x1b: {  	s16 =	sadd.s32 s7, s16;
	[tilespmem:s17+$0x270] =	vst v0  }
0x1c: {  	[hbm4b:s16+s4] =	stream.linear.scatter [tilespmem:s13], [sflag:$0x7], $0x4000, $0x38;
	[tilespmem:$0x10200] =	vst v63  }
.LBB2_10:
0x1d: {  	p0 =	sne.s32 s15, $0x2A  }
.Ltmp3:
0x1e: {  	_ = 	snop;
	(pc) =	sbr.rel @!p0 .LBB2_11-.Ltmp3, $1  }
0x1f: {  	_ =	sdelay $0x3  }
.LBB2_2:
0x20: {  	s18 =	sshll.u32 s15, $0x5  }
0x21: {  	s16 =	sadd.s32 s9, s18  }
0x22: {  	p0 =	sne.s32 s15, $0x0;
	p1 =	slt.s32 s16, $0x4E2  }
0x23: {  	p0 =	por !p0, !p1  }
0x24: {  	s17 =	smov.u32 s15;
	s15 =	sadd.s32 $0x1, s15;
	p0 =	por !p0, !p0  }
0x25: {  	s19 =	sand.u32 @p0 $0x1, s15  }
0x26: {  	p1 =	seq.s32 @p0 s19, $0x1  }
0x27: {  	s19 =	simm.s32 @p0 $0x4;
	p1 =	por !p1, !p0  }
0x28: {  	s19 =	simm.s32 @p1 $0x3  }
0x29: {  	s20 =	sshll.u32 s15, $0x5;
	p5 =	sgt.u32 s17, $0x1;
	_ =	swait.ge @p0 [sflag:s19], $0x4000  }
0x2a: {  	s20 =	sor.u32 s5, s20;
	s21 =	simm.s32 @p0 $0x6;
	[sflag:s19] =	ssyncset.done @p0 $0x0  }
0x2b: {  	s21 =	simm.s32 @p1 $0x5;
	p1 =	sgt.u32 s20, $0x4E1;
	[sflag:s19] =	ssyncadd.s32 @p0 $0xFFFFC000  }
0x2c: {  	p6 =	slt.u32 s18, s11;
	s19 =	sand.u32 @!p1 $0x1, s15;
	_ =	swait.ge @p0 [sflag:s21], $0x4000  }
0x2d: {  	p2 =	seq.s32 @!p1 s19, $0x1;
	s19 =	sshll.u32 @!p1 s20, $0x5;
	[sflag:s21] =	ssyncset.done @p0 $0x0  }
0x2e: {  	p3 =	por !p2, p1;
	s19 =	sadd.s32 @!p1 s6, s19;
	p1 =	por p2, p1  }
0x2f: {  	[sflag:s21] =	ssyncadd.s32 @p0 $0xFFFFC000;
	s20 =	simm.s32 @!p3 $0x0;
	s21 =	simm.s32 @!p3 $0x100  }
0x30: {  	[tilespmem:s21], [sflag:$0x2] =	stream.linear.gather @!p3 [hbm4b:s19+s20], $0x100, $0x38;
	[tilespmem:$0x10200] =	vst v63  }
0x31: {  	s17 =	sand.u32 $0x1, s17;
	p2 =	por !p5, !p6;
	s20 =	simm.s32 @!p1 $0x0  }
0x32: {  	[tilespmem:s20], [sflag:$0x1] =	stream.linear.gather @!p1 [hbm4b:s19+s20], $0x100, $0x38;
	[tilespmem:$0x10200] =	vst v63  }
0x33: {  	p2 =	por !p2, !p2;
	p1 =	seq.s32 s17, $0x1  }
0x34: {  	p3 =	por !p2, !p1  }
0x35: {  	s17 =	sor.u32 s5, s18;
	s18 =	simm.s32 @!p3 $0x8  }
0x36: {  	p4 =	sgt.u32 @p1 s17, $0x4E1;
	_ =	swait.ge @!p3 [sflag:s18], $0x4000  }
0x37: {  	p4 =	por p4, !p1;
	[sflag:s18] =	ssyncset.done @!p3 $0x0  }
0x38: {  	[sflag:s18] =	ssyncadd.s32 @!p3 $0xFFFFC000;
	s18 =	simm.s32 @!p4 $0x2  }
0x39: {  	_ =	swait.ge @!p4 [sflag:s18], $0x100  }
0x3a: {  	s19 =	simm.s32 @!p4 $0x100;
	[sflag:s18] =	ssyncset.done @!p4 $0x0  }
0x3b: {  	s20 =	simm.s32 @!p4 $0x4200;
	[sflag:s18] =	ssyncadd.s32 @!p4 $0xFFFFFF00;
	s18 =	simm.s32 @!p4 $0x80  }
0x3c: {  	[tilespmem:s20], [sflag:$0x4] =	stream.indirect.gather @!p4 [hbm4b:s1+s18], $0x80, s19, s18, $0xb8;
	[tilespmem:$0x10200] =	vst v63  }
0x3d: {  	p2 =	por !p2, p1;
	s19 =	simm.s32 @!p4 $0x180;
	s20 =	simm.s32 @!p4 $0xC200  }
0x3e: {  	[tilespmem:s20], [sflag:$0x6] =	stream.indirect.gather @!p4 [hbm4b:s2+s18], $0x80, s19, s18, $0xb8;
	[tilespmem:$0x10200] =	vst v63  }
0x3f: {  	s18 =	simm.s32 @!p2 $0x7  }
0x40: {  	p3 =	sgt.u32 @!p1 s17, $0x4E1;
	_ =	swait.ge @!p2 [sflag:s18], $0x4000  }
0x41: {  	p1 =	por p3, p1;
	[sflag:s18] =	ssyncset.done @!p2 $0x0  }
0x42: {  	s17 =	simm.s32 @!p1 $0x1;
	[sflag:s18] =	ssyncadd.s32 @!p2 $0xFFFFC000  }
0x43: {  	_ =	swait.ge @!p1 [sflag:s17], $0x100  }
.Ltmp4:
0x44: {  	s19 =	simm.s32 @!p1 $0x200;
	[sflag:s17] =	ssyncset.done @!p1 $0x0;
	(pc) =	sbr.rel @!p0 .LBB2_10-.Ltmp4, $4  }
0x45: {  	s18 =	simm.s32 @!p1 $0x0;
	[sflag:s17] =	ssyncadd.s32 @!p1 $0xFFFFFF00;
	s17 =	simm.s32 @!p1 $0x80  }
0x46: {  	[tilespmem:s19], [sflag:$0x3] =	stream.indirect.gather @!p1 [hbm4b:s1+s17], $0x80, s18, s17, $0xb8;
	[tilespmem:$0x10200] =	vst v63  }
0x47: {  	s18 =	simm.s32 @!p1 $0x8200  }
0x48: {  	[tilespmem:s18], [sflag:$0x5] =	stream.indirect.gather @!p1 [hbm4b:s2+s17], $0x80, s17, s17, $0xb8;
	[tilespmem:$0x10200] =	vst v63  }
0x49: {  	s17 =	sand.u32 $0x1, s15  }
0x4a: {  	p0 =	seq.s32 s17, $0x1  }
.Ltmp5:
0x4b: {  	_ = 	snop;
	(pc) =	sbr.rel @!p0 .LBB2_4-.Ltmp5, $1  }
0x4c: {  	_ =	sdelay $0x3  }
0x4d: {  	s17 =	simm.s32 $0x0  }
0x4e: {  	v7 =	vld [tilespmem:s17+$0xC200]  }
0x4f: {  	v11 =	vld [tilespmem:s17+$0xC210]  }
0x50: {  	v5 =	vld [tilespmem:s17+$0xC220]  }
0x51: {  	v4 =	vld [tilespmem:s17+$0xC230]  }
0x52: {  	v3 =	vld [tilespmem:s17+$0xC240]  }
0x53: {  	v2 =	vld [tilespmem:s17+$0xC250]  }
0x54: {  	v1 =	vld [tilespmem:s17+$0xC260]  }
0x55: {  	v0 =	vld [tilespmem:s17+$0xC270]  }
0x56: {  	v12 =	vld [tilespmem:s17+$0x4200]  }
0x57: {  	v13 =	vld [tilespmem:s17+$0x4210]  }
0x58: {  	v10 =	vld [tilespmem:s17+$0x4220]  }
0x59: {  	v9 =	vld [tilespmem:s17+$0x4230]  }
0x5a: {  	v8 =	vld [tilespmem:s17+$0x4240]  }
0x5b: {  	v6 =	vld [tilespmem:s17+$0x4250];
	v12 =	vadd.f32 v7, v12  }
0x5c: {  	s18 =	simm.s32 $0x200;
	v11 =	vadd.f32 v11, v13;
	v7 =	vld [tilespmem:s17+$0x4260]  }
.LBB2_8:
0x5d: {  	s19 =	sshra.s32 s18, $0x2;
	p0 =	sne.s32 s18, $0xFE00;
	[tilespmem:s17+$0x4200] =	vst v12;
	v5 =	vadd.f32 v5, v10;
	v10 =	vld [tilespmem:s17+$0x4270]  }
0x5e: {  	v12 =	vld [tilespmem:s19+$0xC200];
	[tilespmem:s17+$0x4210] =	vst v11;
	v4 =	vadd.f32 v4, v9  }
0x5f: {  	v11 =	vld [tilespmem:s19+$0xC210];
	[tilespmem:s17+$0x4220] =	vst v5;
	v3 =	vadd.f32 v3, v8  }
0x60: {  	v5 =	vld [tilespmem:s19+$0xC220];
	[tilespmem:s17+$0x4230] =	vst v4;
	v2 =	vadd.f32 v2, v6  }
0x61: {  	v4 =	vld [tilespmem:s19+$0xC230];
	[tilespmem:s17+$0x4240] =	vst v3;
	v1 =	vadd.f32 v1, v7  }
0x62: {  	v3 =	vld [tilespmem:s19+$0xC240];
	[tilespmem:s17+$0x4250] =	vst v2;
	v0 =	vadd.f32 v0, v10  }
0x63: {  	v2 =	vld [tilespmem:s19+$0xC250];
	[tilespmem:s17+$0x4260] =	vst v1  }
0x64: {  	v1 =	vld [tilespmem:s19+$0xC260];
	[tilespmem:s17+$0x4270] =	vst v0;
	s17 =	smov.u32 s19  }
0x65: {  	v0 =	vld [tilespmem:s17+$0xC270]  }
0x66: {  	v6 =	vld [tilespmem:s17+$0x4200]  }
0x67: {  	v7 =	vld [tilespmem:s17+$0x4210]  }
.Ltmp6:
0x68: {  	v10 =	vld [tilespmem:s17+$0x4220];
	(pc) =	sbr.rel @p0 .LBB2_8-.Ltmp6, $4  }
0x69: {  	v9 =	vld [tilespmem:s17+$0x4230]  }
0x6a: {  	v8 =	vld [tilespmem:s17+$0x4240]  }
0x6b: {  	v12 =	vadd.f32 v12, v6;
	v6 =	vld [tilespmem:s17+$0x4250]  }
0x6c: {  	s18 =	sadd.s32 $0x200, s18;
	v11 =	vadd.f32 v11, v7;
	v7 =	vld [tilespmem:s17+$0x4260]  }
0x6d: {  	[tilespmem:s17+$0x4200] =	vst v12;
	v5 =	vadd.f32 v5, v10;
	v63 =	vld [tilespmem:s17+$0x4270]  }
0x6e: {  	[tilespmem:s17+$0x4210] =	vst v11;
	v4 =	vadd.f32 v4, v9  }
0x6f: {  	[tilespmem:s17+$0x4220] =	vst v5;
	v3 =	vadd.f32 v3, v8  }
0x70: {  	[tilespmem:s17+$0x4230] =	vst v4;
	v2 =	vadd.f32 v2, v6  }
.Ltmp7:
0x71: {  	[tilespmem:s17+$0x4240] =	vst v3;
	v1 =	vadd.f32 v1, v7;
	(pc) =	sbr.rel .LBB2_10-.Ltmp7, $4  }
0x72: {  	s16 =	sshll.u32 s16, $0xB;
	[tilespmem:s17+$0x4250] =	vst v2;
	v0 =	vadd.f32 v0, v63  }
0x73: {  	s16 =	sand.u32 $0x1FFFF800, s16;
	[tilespmem:s17+$0x4260] =	vst v1  }
0x74: {  	s16 =	sadd.s32 s7, s16;
	[tilespmem:s17+$0x4270] =	vst v0  }
0x75: {  	[hbm4b:s16+s4] =	stream.linear.scatter [tilespmem:s12], [sflag:$0x8], $0x4000, $0x38;
	[tilespmem:$0x10200] =	vst v63  }
.LBB2_4:
0x76: {  	s17 =	simm.s32 $0x0  }
0x77: {  	v7 =	vld [tilespmem:s17+$0x8200]  }
0x78: {  	v11 =	vld [tilespmem:s17+$0x8210]  }
0x79: {  	v5 =	vld [tilespmem:s17+$0x8220]  }
0x7a: {  	v4 =	vld [tilespmem:s17+$0x8230]  }
0x7b: {  	v3 =	vld [tilespmem:s17+$0x8240]  }
0x7c: {  	v2 =	vld [tilespmem:s17+$0x8250]  }
0x7d: {  	v1 =	vld [tilespmem:s17+$0x8260]  }
0x7e: {  	v0 =	vld [tilespmem:s17+$0x8270]  }
0x7f: {  	v12 =	vld [tilespmem:s17+$0x200]  }
0x80: {  	v13 =	vld [tilespmem:s17+$0x210]  }
0x81: {  	v10 =	vld [tilespmem:s17+$0x220]  }
0x82: {  	v9 =	vld [tilespmem:s17+$0x230]  }
0x83: {  	v8 =	vld [tilespmem:s17+$0x240]  }
0x84: {  	v6 =	vld [tilespmem:s17+$0x250];
	v12 =	vadd.f32 v7, v12  }
0x85: {  	s18 =	simm.s32 $0x200;
	v11 =	vadd.f32 v11, v13;
	v7 =	vld [tilespmem:s17+$0x260]  }
.LBB2_5:
0x86: {  	s19 =	sshra.s32 s18, $0x2;
	p0 =	sne.s32 s18, $0xFE00;
	[tilespmem:s17+$0x200] =	vst v12;
	v5 =	vadd.f32 v5, v10;
	v10 =	vld [tilespmem:s17+$0x270]  }
0x87: {  	v4 =	vadd.f32 v4, v9;
	v12 =	vld [tilespmem:s19+$0x8200];
	[tilespmem:s17+$0x210] =	vst v11  }
0x88: {  	v3 =	vadd.f32 v3, v8;
	v11 =	vld [tilespmem:s19+$0x8210];
	[tilespmem:s17+$0x220] =	vst v5  }
0x89: {  	v2 =	vadd.f32 v2, v6;
	v5 =	vld [tilespmem:s19+$0x8220];
	[tilespmem:s17+$0x230] =	vst v4  }
0x8a: {  	v1 =	vadd.f32 v1, v7;
	v4 =	vld [tilespmem:s19+$0x8230];
	[tilespmem:s17+$0x240] =	vst v3  }
0x8b: {  	v3 =	vld [tilespmem:s19+$0x8240];
	[tilespmem:s17+$0x250] =	vst v2;
	v0 =	vadd.f32 v0, v10  }
0x8c: {  	v2 =	vld [tilespmem:s19+$0x8250];
	[tilespmem:s17+$0x260] =	vst v1  }
0x8d: {  	v1 =	vld [tilespmem:s19+$0x8260];
	[tilespmem:s17+$0x270] =	vst v0;
	s17 =	smov.u32 s19  }
0x8e: {  	v0 =	vld [tilespmem:s17+$0x8270]  }
0x8f: {  	v6 =	vld [tilespmem:s17+$0x200]  }
0x90: {  	v7 =	vld [tilespmem:s17+$0x210]  }
.Ltmp8:
0x91: {  	v10 =	vld [tilespmem:s17+$0x220];
	(pc) =	sbr.rel @p0 .LBB2_5-.Ltmp8, $4  }
0x92: {  	v9 =	vld [tilespmem:s17+$0x230]  }
0x93: {  	v8 =	vld [tilespmem:s17+$0x240]  }
0x94: {  	v12 =	vadd.f32 v12, v6;
	v6 =	vld [tilespmem:s17+$0x250]  }
0x95: {  	s18 =	sadd.s32 $0x200, s18;
	v11 =	vadd.f32 v11, v7;
	v7 =	vld [tilespmem:s17+$0x260]  }
.Ltmp9:
0x96: {  	_ = 	snop;
	(pc) =	sbr.rel .LBB2_6-.Ltmp9, $1  }
0x97: {  	_ =	sdelay $0x3  }
.LBB2_12:
0x98: {  	_ =	sfence.sel $0x180000  }
0x99: {  	[bflag:$0x0] =	sbarrier.arrive $0xFFFF  }
0x9a: {  	p0 =	sne.s32 s3, $0x0;
	_ =	strace $0x90000047  }
0x9b: {  	s0 =	sadd.s32 @!p0 $0x100000, s0;
	[bflag:$0x2] =	sbarrier.arrive $0xFFFF  }
0x9c: {  	[sflag:s0] =	ssyncadd.tile.s32 @!p0 $0x1;
	_ =	shalt  }
.Lfunc_end2:
_tile_overlayer_lowered:
.L_overlay_start_2:
0x9d: {  	(tag) =	ssettag $0x2  }
0x9e: {  	s0 =	rddreg [dreg:$0x0];
	s2 =	stileid.u32  }
0x9f: {  	s1 =	rddreg [dreg:$0x1];
	p0 =	sne.s32 s2, $0x0  }
0xa0: {  	s3 =	rddreg [dreg:$0x2];
	[bflag:$0x3] =	sbarrier.arrive $0xFFFF;
	s2 =	simm.s32 @!p0 $0x1C09  }
0xa1: {  	[timem:s3], [sflag:s2] =	dma.local @!p0 [hbm:s0], s1  }
0xa2: {  	s0 =	simm.s32 @!p0 $0x9  }
0xa3: {  	_ =	swait.ge @!p0 [sflag:s0], s1  }
0xa4: {  	s1 =	ssub.s32 @!p0 $0x0, s1;
	[sflag:s0] =	ssyncset.done @!p0 $0x0  }
0xa5: {  	[sflag:s0] =	ssyncadd.s32 @!p0 s1  }
0xa6: {  	[bflag:$0x3] =	sbarrier.arrive $0xFFFF  }
0xa7: {  	_ =	shalt  }

// kernel: sc_scatter_0.3.cloned.1.call-start
scs
__scs_entry_jumppad:
0x0: {  	(pc) =	sbr.rel $0x88, $3  }
0x1: {  	(tag) =	ssettag $0x0;
	lr =	simm.s32 $0x1  }
0x2: {  	[smem:$0x3F90] =	sst lr;
	_ =	strace $0xD0000000  }
0x3: {  	_ = 	snop  }
0x4: {  	_ = 	snop  }
0x5: {  	_ = 	snop  }
0x6: {  	_ = 	snop  }
0x7: {  	_ = 	snop  }
__scs_overlays_trampoline_lowered:
0x8: {  	[smem:$0x3F9F] =	sst s0  }
0x9: {  	[smem:$0x3FA0] =	sst s1  }
0xa: {  	[smem:$0x3FA1] =	sst s2  }
0xb: {  	[smem:$0x3FA2] =	sst s3  }
0xc: {  	[smem:$0x3FA3] =	sst s4  }
0xd: {  	[smem:$0x3FA4] =	sst s5  }
0xe: {  	[smem:$0x3FA5] =	sst s6  }
0xf: {  	[smem:$0x3FA6] =	sst s7  }
0x10: {  	[smem:$0x3FA7] =	sst s8  }
0x11: {  	[smem:$0x3FA8] =	sst s9;
	s0 =	simm.s32 @!p0 $0x0  }
0x12: {  	s1 =	sld [smem:$0x3F8E];
	s0 =	simm.s32 @p0 $0x1  }
0x13: {  	[smem:$0x3FA9] =	sst s0;
	s0 =	simm.s32 @!p1 $0x0  }
0x14: {  	s2 =	sld [smem:$0x3F8D];
	s0 =	simm.s32 @p1 $0x1  }
0x15: {  	[smem:$0x3FAA] =	sst s0;
	s0 =	simm.s32 @!p2 $0x0  }
0x16: {  	s3 =	sld [smem:$0x3FDB];
	s0 =	simm.s32 @p2 $0x1  }
0x17: {  	s4 =	simm.s32 $0x1BF5;
	[smem:$0x3FAC] =	sst s0  }
0x18: {  	s0 =	sld [smem:$0x3F8F];
	_ =	swait.ge [sflag:s4], $0x0  }
0x19: {  	s7 =	sld [smem:$0x3F90]  }
0x1a: {  	s8 =	sadd.s32 $0xFFFFE003, lr  }
0x1b: {  	s9 =	sadd.s32 $0xFFFFFEF7, lr;
	s5 =	simm.s32 $0xFFFFFFFF;
	p2 =	slt.u32 s8, $0xFFFFF086  }
0x1c: {  	p1 =	slt.u32 s9, $0xF7A;
	s5 =	simm.s32 @!p2 $0x0  }
0x1d: {  	s5 =	simm.s32 @p1 $0x1;
	p0 =	seq.s32 s7, s2  }
0x1e: {  	s7 =	smul.u32 @!p0 $0xF7A, s2;
	p2 =	seq.s32 @!p0 s5, $0x0  }
0x1f: {  	s9 =	smul.u32 $0xF7A, s1;
	s8 =	simm.s32 @!p0 $0x1BF5;
	p2 =	por !p2, p0  }
0x20: {  	[sflag:s8] =	ssyncset.s32 @!p0 $0xFFFFF086;
	s6 =	sadd.s32 @!p0 s3, s7;
	s7 =	simm.s32 @!p0 $0x108  }
0x21: {  	s3 =	sadd.s32 s3, s9;
	s6 =	sadd.s32 @!p0 $0x88, s6;
	s7 =	simm.s32 @p2 $0x1082  }
0x22: {  	[simem:s7], [sflag:s8] =	dma.local @!p0 [hbm:s6], $0xF7A  }
0x23: {  	s9 =	sor.u32 $0xD0000000, s2;
	s6 =	simm.s32 $0x108;
	_ =	swait.ge @!p0 [sflag:s8], $0x0  }
0x24: {  	s3 =	sadd.s32 $0x88, s3;
	s6 =	simm.s32 @!p1 $0x1082;
	[sflag:s4] =	ssyncset.s32 $0xFFFFF086  }
0x25: {  	[simem:s6], [sflag:s4] =	dma.local [hbm:s3], $0xF7A  }
0x26: {  	[smem:$0x3F90] =	sst s1;
	(tag) =	ssettag s2;
	_ =	strace s9  }
0x27: {  	s1 =	sld [smem:$0x3FA0]  }
0x28: {  	s2 =	sld [smem:$0x3FA1]  }
0x29: {  	s4 =	sld [smem:$0x3FA3]  }
0x2a: {  	p0 =	seq.s32 s5, $0x0;
	s5 =	sld [smem:$0x3FA4]  }
0x2b: {  	s6 =	sld [smem:$0x3FA5]  }
0x2c: {  	s7 =	sld [smem:$0x3FA6]  }
0x2d: {  	s3 =	simm.s32 $0x108;
	s8 =	sld [smem:$0x3FA7]  }
0x2e: {  	s3 =	simm.s32 @!p0 $0x1082;
	s9 =	sld [smem:$0x3FA8]  }
0x2f: {  	lr =	sadd.s32 s0, s3;
	s0 =	sld [smem:$0x3F9F]  }
0x30: {  	s3 =	sld [smem:$0x3FA2]  }
0x31: {  	[smem:$0x3FAB] =	sst s10  }
0x32: {  	s10 =	sld [smem:$0x3FA9];
	_ =	sdelay $0x3  }
0x33: {  	p0 =	seq.s32 s10, $0x1;
	s10 =	sld [smem:$0x3FAB];
	_ =	sdelay $0x3  }
0x34: {  	[smem:$0x3FAB] =	sst s10  }
0x35: {  	s10 =	sld [smem:$0x3FAA];
	_ =	sdelay $0x3  }
0x36: {  	p1 =	seq.s32 s10, $0x1;
	s10 =	sld [smem:$0x3FAB];
	_ =	sdelay $0x3  }
0x37: {  	[smem:$0x3FAB] =	sst s10  }
0x38: {  	s10 =	sld [smem:$0x3FAC]  }
0x39: {  	_ = 	snop;
	(pc) =	sbr.ind lr, $3  }
0x3a: {  	_ = 	snop  }
0x3b: {  	_ = 	snop  }
0x3c: {  	p2 =	seq.s32 s10, $0x1;
	s10 =	sld [smem:$0x3FAB]  }
0x3d: {  	_ =	shalt  }
0x3e: {  	_ =	shalt  }
0x3f: {  	_ =	shalt  }
0x40: {  	_ =	shalt  }
0x41: {  	_ =	shalt  }
0x42: {  	_ =	shalt  }
0x43: {  	_ =	shalt  }
0x44: {  	_ =	shalt  }
0x45: {  	_ =	shalt  }
0x46: {  	_ =	shalt  }
0x47: {  	_ =	shalt  }
0x48: {  	_ =	shalt  }
0x49: {  	_ =	shalt  }
0x4a: {  	_ =	shalt  }
0x4b: {  	_ =	shalt  }
0x4c: {  	_ =	shalt  }
0x4d: {  	_ =	shalt  }
0x4e: {  	_ =	shalt  }
0x4f: {  	_ =	shalt  }
0x50: {  	_ =	shalt  }
0x51: {  	_ =	shalt  }
0x52: {  	_ =	shalt  }
0x53: {  	_ =	shalt  }
0x54: {  	_ =	shalt  }
0x55: {  	_ =	shalt  }
0x56: {  	_ =	shalt  }
0x57: {  	_ =	shalt  }
0x58: {  	_ =	shalt  }
0x59: {  	_ =	shalt  }
0x5a: {  	_ =	shalt  }
0x5b: {  	_ =	shalt  }
0x5c: {  	_ =	shalt  }
0x5d: {  	_ =	shalt  }
0x5e: {  	_ =	shalt  }
0x5f: {  	_ =	shalt  }
0x60: {  	_ =	shalt  }
0x61: {  	_ =	shalt  }
0x62: {  	_ =	shalt  }
0x63: {  	_ =	shalt  }
0x64: {  	_ =	shalt  }
0x65: {  	_ =	shalt  }
0x66: {  	_ =	shalt  }
0x67: {  	_ =	shalt  }
0x68: {  	_ =	shalt  }
0x69: {  	_ =	shalt  }
0x6a: {  	_ =	shalt  }
0x6b: {  	_ =	shalt  }
0x6c: {  	_ =	shalt  }
0x6d: {  	_ =	shalt  }
0x6e: {  	_ =	shalt  }
0x6f: {  	_ =	shalt  }
0x70: {  	_ =	shalt  }
0x71: {  	_ =	shalt  }
0x72: {  	_ =	shalt  }
0x73: {  	_ =	shalt  }
0x74: {  	_ =	shalt  }
0x75: {  	_ =	shalt  }
0x76: {  	_ =	shalt  }
0x77: {  	_ =	shalt  }
0x78: {  	_ =	shalt  }
0x79: {  	_ =	shalt  }
0x7a: {  	_ =	shalt  }
0x7b: {  	_ =	shalt  }
0x7c: {  	_ =	shalt  }
0x7d: {  	_ =	shalt  }
0x7e: {  	_ =	shalt  }
0x7f: {  	_ =	shalt  }
0x80: {  	_ =	shalt  }
0x81: {  	_ =	shalt  }
0x82: {  	_ =	shalt  }
0x83: {  	_ =	shalt  }
0x84: {  	_ =	shalt  }
0x85: {  	_ =	shalt  }
0x86: {  	_ =	shalt  }
0x87: {  	_ =	shalt  }
.Lfunc_end0:
.L_simem_size_0:
called_computation.1_lowered:
.L_overlay_start_0:
0x88: {  	s2 =	sld [smem:$0x3FD9]  }
0x89: {  	s3 =	sld [smem:$0x3FFE];
	_ =	sdelay $0x1  }
0x8a: {  	s1 =	srdreg.scid  }
0x8b: {  	s0 =	sand.u32 $0x1, s1  }
0x8c: {  	s14 =	sshll.u32 s0, $0xA;
	s2 =	sadd.s32 s3, s2  }
0x8d: {  	s2 =	sadd.s32 s2, s14  }
0x8e: {  	[smem:$0x3FB7] =	sst s2  }
0x8f: {  	_ = 	snop  }
0x90: {  	s2 =	sld [smem:$0x3FD0];
	_ =	sdelay $0x2  }
0x91: {  	s15 =	simm.s32 $0xA;
	s4 =	simm.s32 $0x10  }
0x92: {  	[smem:s4], [sflag:s15] =	dma.local [hbm:s2], $0x1  }
0x93: {  	_ =	swait.eq [sflag:s15], $0x1  }
0x94: {  	[sflag:s15] =	ssyncset.done $0x0  }
0x95: {  	[sflag:s15] =	ssyncadd.s32 $0xFFFFFFFF  }
0x96: {  	s16 =	sld [smem:$0x11];
	(tm) =	ssettm $0x1  }
0x97: {  	s17 =	sld [smem:$0x3FFB];
	_ =	sdelay $0x3  }
0x98: {  	_ =	strace s17  }
0x99: {  	s3 =	sld [smem:$0x3FFC];
	_ =	sdelay $0x3  }
0x9a: {  	_ =	strace s3  }
0x9b: {  	s3 =	sld [smem:$0x3FFD];
	_ =	sdelay $0x3  }
0x9c: {  	_ =	strace s3  }
0x9d: {  	_ =	strace $0x8FFFFFFF  }
0x9e: {  	s18 =	sld [smem:$0x3FDB];
	_ =	sdelay $0x1  }
0x9f: {  	s19 =	simm.s32 $_scs_section_size  }
0xa0: {  	s5 =	simm.s32 $_size__tile_overlayer_lowered;
	s6 =	simm.s32 $_tile_overlayer_lowered  }
0xa1: {  	s22 =	simm.s32 $0x1BFF;
	s21 =	sshll.u32 s6, $0x1;
	s3 =	sadd.s32 s19, s18  }
0xa2: {  	s7 =	simm.s32 $0x0;
	s20 =	sshll.u32 s5, $0x1;
	s5 =	sadd.s32 s21, s3  }
0xa3: {  	[timem:s7], [sflag:s22] =	dma.local [hbm:s5], s20  }
0xa4: {  	_ =	swait.ge [sflag:s22], s20  }
0xa5: {  	s4 =	ssub.s32 $0x0, s20;
	[sflag:s22] =	ssyncset.done $0x0  }
0xa6: {  	[sflag:s22] =	ssyncadd.s32 s4;
	_ =	sdelay $0x1  }
0xa7: {  	s23 =	simm.s32 $0x1B8B  }
0xa8: {  	_ =	swait.ge [sflag:s23], $0x1  }
0xa9: {  	[sflag:s23] =	ssyncset.done $0x0  }
0xaa: {  	s25 =	simm.s32 $0x1B8E;
	s24 =	sld [smem:$0x3FFE];
	[sflag:s23] =	ssyncadd.s32 $0xFFFFFFFF  }
0xab: {  	s26 =	simm.s32 $execute0_lowered;
	[smem:$0x3FD2] =	sst s25  }
0xac: {  	s5 =	sshll.u32 s26, $0x1;
	_ =	strace $0x80000049;
	[dreg:$0x1] =	wrdreg $0xFFFFFFFF  }
0xad: {  	s28 =	simm.s32 $_size_execute0_lowered;
	s3 =	sadd.s32 s3, s5;
	[dreg:$0x0] =	wrdreg $0x0  }
0xae: {  	s5 =	sshll.u32 s28, $0x1;
	[dreg:$0x2] =	wrdreg s3  }
0xaf: {  	[dreg:$0x3] =	wrdreg s5  }
0xb0: {  	[dreg:$0x4] =	wrdreg $0xC0  }
0xb1: {  	_ =	task [dreg:s7], $0x5FFFF  }
0xb2: {  	[dreg:$0x1] =	wrdreg $0xFFFFFFFF  }
0xb3: {  	[dreg:$0x0] =	wrdreg $0x60  }
0xb4: {  	[dreg:$0x2] =	wrdreg s16  }
0xb5: {  	[dreg:$0x3] =	wrdreg s24  }
0xb6: {  	[dreg:$0x4] =	wrdreg $0x81000  }
0xb7: {  	[dreg:$0x5] =	wrdreg $0x9  }
0xb8: {  	_ =	task.clear_ibuf [dreg:s7], $0x6FFFF;
	_ =	strace $0x90000049  }
0xb9: {  	s29 =	simm.s32 $0x9;
	_ =	strace $0x8000004B  }
0xba: {  	_ =	swait.ge [sflag:s29], $0x1  }
0xbb: {  	[sflag:s29] =	ssyncadd.s32 $0xFFFFFFFF  }
0xbc: {  	_ =	strace $0x9000004B  }
0xbd: {  	_ =	sfence  }
0xbe: {  	s30 =	sld [smem:$0x0];
	_ =	sdelay $0x2  }
0xbf: {  	s31 =	sshll.u32 s1, $0xD;
	s1 =	sshrl.u32 s1, $0x2  }
0xc0: {  	s3 =	sand.u32 $0x4000, s31;
	s1 =	sadd.s32 s1, s30  }
0xc1: {  	s0 =	sor.u32 s3, s0;
	s1 =	sshll.u32 s1, $0x11  }
0xc2: {  	s0 =	sor.u32 s1, s0  }
0xc3: {  	s0 =	sadd.s32 $0x8F2B, s0  }
0xc4: {  	[sflag:s0] =	ssyncadd.remote.s32 $0x1  }
0xc5: {  	_ =	sfence.sel $0xFFFF  }
0xc6: {  	[dreg:$0x0] =	wrdreg $0xFFFFFFFF;
	(pc) =	sbr.abs _section_cstart, $3  }
0xc7: {  	[dreg:$0x1] =	wrdreg $0xFFFFFFFF  }
0xc8: {  	_ =	task.clear_ibuf [dreg:s7], $0x2FFFF;
	_ =	strace $0x9FFFFFFF  }
0xc9: {  	(tm) =	ssettm $0x7FFFFFFF  }
tec
execute0_lowered:
.L_overlay_start_1:
0x0: {  	(tag) =	ssettag $0x1  }
0x1: {  	s0 =	rddreg [dreg:$0x0]  }
0x2: {  	s3 =	rddreg [dreg:$0x1]  }
0x3: {  	s1 =	rddreg [dreg:$0x2]  }
0x4: {  	s2 =	simm.s32 $0x0;
	s6 =	srdreg.scid;
	s9 =	stileid.u32  }
0x5: {  	[smem:$0x7FF] =	sst s2;
	s4 =	sadd.s32 $0x3800, s3;
	s5 =	sadd.s32 $0x8800, s3  }
0x6: {  	s7 =	sadd.s32 $0x56A00, s3;
	s6 =	sand.u32 $0x1, s6;
	s11 =	smul.u32 $0x4E000, s9  }
0x7: {  	s10 =	sshll.u32 s9, $0x1;
	s25 =	smul.u32 $0x13800, s9;
	s29 =	sshll.u32 s9, $0x6  }
0x8: {  	s17 =	sadd.s32 $0x138000, s1;
	p1 =	sne.s32 s9, $0x0;
	_ =	strace $0x8000004A  }
0x9: {  	s8 =	ssub.s32 $0x2, s6;
	s3 =	sor.u32 s6, s10;
	s13 =	smul.u32 $0x138800, s6  }
0xa: {  	[dreg:$0x9] =	wrdreg s17;
	s18 =	ssub.s32 $0x4E2, s10;
	s12 =	sshrl.u32 s8, $0x1  }
0xb: {  	s16 =	sshll.u32 s3, $0x4;
	s26 =	sshll.u32 s3, $0xB;
	s11 =	sshrl.u32 s11, $0x2  }
0xc: {  	[dreg:$0x4] =	wrdreg s18;
	s20 =	sor.u32 $0x20, s3;
	s12 =	ssub.s32 s8, s12  }
0xd: {  	s14 =	sadd.s32 s4, s16;
	s11 =	sadd.s32 s11, s1;
	s8 =	sadd.s32 s25, s13  }
0xe: {  	s30 =	sshrl.u32 s13, $0x3;
	s19 =	sand.u32 $0x70, s16;
	s22 =	sshll.u32 s20, $0x4  }
0xf: {  	s24 =	sshll.u32 s20, $0xB;
	s16 =	sor.u32 $0x400, s16;
	[dreg:$0x5] =	wrdreg s14  }
0x10: {  	s20 =	simm.s32 $0x100;
	s14 =	sadd.s32 s0, s26;
	[dreg:$0x7] =	wrdreg s11  }
0x11: {  	s28 =	sshrl.u32 s8, $0x3;
	s8 =	sor.u32 $0x1C07, s29;
	s15 =	sadd.s32 $0x27000, s30  }
0x12: {  	s11 =	sadd.s32 s4, s19;
	s23 =	smax.u32 s12, $0x1;
	s25 =	sand.u32 $0x580, s16  }
0x13: {  	s26 =	sshll.u32 s9, $0x5;
	s30 =	sshll.u32 s9, $0xC;
	s17 =	sadd.s32 s0, s24  }
0x14: {  	s24 =	simm.s32 $0x1;
	[dreg:$0x6] =	wrdreg s14;
	s31 =	sadd.s32 s5, s28  }
0x15: {  	s5 =	sadd.s32 s5, s15;
	s21 =	sadd.s32 s7, s28;
	[dreg:$0xd] =	wrdreg s23  }
0x16: {  	s7 =	sadd.s32 s7, s15;
	s28 =	sshll.u32 s6, $0x4;
	[dreg:$0x8] =	wrdreg s31  }
0x17: {  	s4 =	sadd.s32 s25, s4;
	s10 =	sadd.s32 s30, s0;
	[dreg:$0xa] =	wrdreg s5  }
0x18: {  	s6 =	sshll.u32 s6, $0xB;
	s25 =	simm.s32 $0x3;
	[dreg:$0xb] =	wrdreg s21  }
0x19: {  	s0 =	simm.s32 @!p1 $0x0;
	[dreg:$0xc] =	wrdreg s7;
	s5 =	sand.u32 $0x380, s22  }
0x1a: {  	s29 =	sor.u32 s28, s26;
	s31 =	sadd.s32 s6, s10;
	s21 =	simm.s32 $0x7  }
0x1b: {  	s22 =	simm.s32 $0x80;
	s26 =	simm.s32 $0x0;
	s0 =	simm.s32 @p1 $0x1  }
0x1c: {  	s5 =	sadd.s32 s5, s11;
	s7 =	sand.u32 $0x70, s29;
	[smem:$0x7FD] =	sst s0  }
0x1d: {  	s19 =	sadd.s32 $0x20000, s31;
	[dreg:$0xe] =	wrdreg s5;
	s18 =	sadd.s32 s7, s4  }
.LBB2_1:
0x1e: {  	s0 =	rddreg [dreg:$0x5]  }
0x1f: {  	s10 =	rddreg [dreg:$0x6]  }
0x20: {  	s12 =	rddreg [dreg:$0x7]  }
0x21: {  	[tilespmem:s2], [sflag:$0x1] =	stream.linear.gather [hbm4b:s0+s2], $0x80, $0x38;
	[tilespmem:$0x1B980] =	vst v63  }
0x22: {  	s13 =	rddreg [dreg:$0x8];
	s28 =	sshrl.u32 s12, $0x3  }
0x23: {  	[tilespmem:s20], [sflag:$0x3] =	stream.linear.gather [hbm4b:s10+s2], $0x4000, $0x38;
	[tilespmem:$0x1B980] =	vst v63  }
0x24: {  	[spmem:s28], [sflag:s8] =	dma.local [hbm:s13], $0x2700  }
0x25: {  	_ =	swait.ge [sflag:s21], $0x2700  }
0x26: {  	[sflag:s21] =	ssyncset.done $0x0;
	s0 =	rddreg [dreg:$0x9]  }
0x27: {  	[sflag:s21] =	ssyncadd.s32 $0xFFFFD900;
	s29 =	sshrl.u32 @!p1 s0, $0x3;
	s0 =	rddreg [dreg:$0xa]  }
0x28: {  	[spmem:s29], [sflag:s8] =	dma.local @!p1 [hbm:s0], $0x100  }
0x29: {  	s0 =	simm.s32 @!p1 $0x7  }
0x2a: {  	_ =	swait.ge @!p1 [sflag:s0], $0x100  }
0x2b: {  	[sflag:s0] =	ssyncset.done @!p1 $0x0  }
0x2c: {  	[sflag:s0] =	ssyncadd.s32 @!p1 $0xFFFFFF00  }
0x2d: {  	[bflag:$0x0] =	sbarrier.arrive $0xFFFF  }
0x2e: {  	s14 =	rddreg [dreg:$0xe]  }
0x2f: {  	[tilespmem:s22], [sflag:$0x2] =	stream.linear.gather [hbm4b:s14+s2], $0x80, $0x38;
	[tilespmem:$0x1B980] =	vst v63  }
0x30: {  	s15 =	simm.s32 $0x4100;
	s23 =	sadd.s32 $0x0, s3  }
0x31: {  	[tilespmem:s15], [sflag:$0x4] =	stream.linear.gather [hbm4b:s17+s2], $0x4000, $0x38;
	[tilespmem:$0x1B980] =	vst v63  }
0x32: {  	s4 =	simm.s32 $0x2;
	p0 =	sgt.u32 s23, $0x4E1;
	_ =	swait.ge [sflag:s24], $0x80  }
0x33: {  	s5 =	sand.u32 @!p0 $0x1, s4;
	s0 =	sadd.s32 $0x40, s23;
	[sflag:s24] =	ssyncset.done $0x0  }
0x34: {  	p2 =	seq.s32 @!p0 s5, $0x1;
	p1 =	sgt.u32 s0, $0x4E1;
	[sflag:s24] =	ssyncadd.s32 $0xFFFFFF80  }
0x35: {  	p2 =	por !p2, p0;
	s0 =	sand.u32 @!p1 $0x1, s4;
	_ =	swait.ge [sflag:s25], $0x4000  }
0x36: {  	p3 =	seq.s32 @!p1 s0, $0x1;
	s0 =	simm.s32 @!p0 $0x6;
	[sflag:s25] =	ssyncset.done $0x0  }
0x37: {  	s0 =	simm.s32 @p2 $0x5;
	[sflag:s25] =	ssyncadd.s32 $0xFFFFC000  }
0x38: {  	[spmem:s1] =	stream.indirect.scatter.add.f32 [tilespmem:s20], [sflag:$0x5], $0x80, s2, s22, $0xb8;
	[tilespmem:$0x1B980] =	vst v63  }
0x39: {  	s30 =	sadd.s32 $0x10000, s19;
	p4 =	por !p3, p1;
	_ =	swait.ge @!p0 [sflag:s0], $0x4000  }
0x3a: {  	s31 =	sadd.s32 $0x200, s18;
	s4 =	simm.s32 @!p4 $0x0;
	[sflag:s0] =	ssyncset.done @!p0 $0x0  }
0x3b: {  	s5 =	simm.s32 @!p4 $0x80;
	s6 =	rddreg [dreg:$0x4];
	[sflag:s0] =	ssyncadd.s32 @!p0 $0xFFFFC000  }
0x3c: {  	[tilespmem:s5], [sflag:$0x2] =	stream.linear.gather @!p4 [hbm4b:s18+s4], $0x80, $0x38;
	[tilespmem:$0x1B980] =	vst v63  }
0x3d: {  	p1 =	por p3, p1;
	p2 =	sle.u32 s6, $0x20;
	s5 =	simm.s32 $0x1  }
0x3e: {  	s7 =	sand.u32 @!p1 $0x7D80, s16;
	s0 =	simm.s32 @!p4 $0x4100;
	s5 =	sand.u32 @!p2 $0x1, s5  }
0x3f: {  	[tilespmem:s0], [sflag:$0x4] =	stream.linear.gather @!p4 [hbm4b:s19+s4], $0x4000, $0x38;
	[tilespmem:$0x1B980] =	vst v63  }
0x40: {  	s0 =	sadd.s32 @!p1 s7, s11;
	s4 =	simm.s32 @!p1 $0x0;
	p0 =	seq.s32 @!p2 s5, $0x1  }
0x41: {  	[tilespmem:s4], [sflag:$0x1] =	stream.linear.gather @!p1 [hbm4b:s0+s4], $0x80, $0x38;
	[tilespmem:$0x1B980] =	vst v63  }
0x42: {  	s9 =	sadd.s32 $0x20, s3;
	p4 =	por !p0, p2;
	s0 =	simm.s32 @!p1 $0x100  }
0x43: {  	[tilespmem:s0], [sflag:$0x3] =	stream.linear.gather @!p1 [hbm4b:s19+s4], $0x4000, $0x38;
	[tilespmem:$0x1B980] =	vst v63  }
0x44: {  	s23 =	sadd.s32 $0x200, s16;
	s5 =	simm.s32 $0x40;
	s4 =	simm.s32 @!p4 $0x2  }
0x45: {  	p2 =	por p0, p2;
	s7 =	simm.s32 @!p4 $0x4;
	_ =	swait.ge @!p4 [sflag:s4], $0x80  }
0x46: {  	s10 =	simm.s32 @!p4 $0x4100;
	s12 =	simm.s32 @!p4 $0x80;
	[sflag:s4] =	ssyncset.done @!p4 $0x0  }
0x47: {  	s6 =	simm.s32 @!p2 $0x100;
	s0 =	simm.s32 $0x3;
	[sflag:s4] =	ssyncadd.s32 @!p4 $0xFFFFFF80  }
0x48: {  	p1 =	sgt.u32 s9, $0x4E1;
	s4 =	simm.s32 $0x40;
	_ =	swait.ge @!p4 [sflag:s7], $0x4000  }
.LBB2_2:
0x49: {  	[sflag:s7] =	ssyncset.done @!p4 $0x0;
	s13 =	simm.s32 @!p2 $0x1;
	s14 =	simm.s32 @!p2 $0x3  }
0x4a: {  	s9 =	sadd.s32 $0x40, s9;
	s15 =	sand.u32 @!p1 $0x1, s0;
	[sflag:s7] =	ssyncadd.s32 @!p4 $0xFFFFC000  }
0x4b: {  	[spmem:s1] =	stream.indirect.scatter.add.f32 @!p4 [tilespmem:s10], [sflag:$0x6], $0x80, s12, s12, $0xb8;
	[tilespmem:$0x1B980] =	vst v63  }
0x4c: {  	p0 =	seq.s32 @!p1 s15, $0x1;
	p4 =	sgt.u32 s9, $0x4E1;
	_ =	swait.ge @!p2 [sflag:s13], $0x80  }
0x4d: {  	p0 =	por !p0, p1;
	s9 =	simm.s32 @!p2 $0x80;
	[sflag:s13] =	ssyncset.done @!p2 $0x0  }
0x4e: {  	s10 =	smov.u32 s5;
	s5 =	sadd.s32 $0x20, s5;
	[sflag:s13] =	ssyncadd.s32 @!p2 $0xFFFFFF80  }
0x4f: {  	s12 =	simm.s32 @!p1 $0x6;
	s7 =	sand.u32 @!p4 $0x1, s0;
	_ =	swait.ge @!p2 [sflag:s14], $0x4000  }
0x50: {  	p3 =	sne.s32 s5, $0x500;
	s12 =	simm.s32 @p0 $0x5;
	[sflag:s14] =	ssyncset.done @!p2 $0x0  }
0x51: {  	p6 =	seq.s32 @!p4 s7, $0x1;
	s7 =	simm.s32 @!p2 $0x0;
	[sflag:s14] =	ssyncadd.s32 @!p2 $0xFFFFC000  }
0x52: {  	[spmem:s1] =	stream.indirect.scatter.add.f32 @!p2 [tilespmem:s6], [sflag:$0x5], $0x80, s7, s9, $0xb8;
	[tilespmem:$0x1B980] =	vst v63  }
0x53: {  	p5 =	por !p6, p4;
	p0 =	por p6, p4;
	_ =	swait.ge @!p1 [sflag:s12], $0x4000  }
0x54: {  	s13 =	sand.u32 @!p0 $0x7D80, s23;
	s6 =	simm.s32 @!p5 $0x0;
	[sflag:s12] =	ssyncset.done @!p1 $0x0  }
0x55: {  	s7 =	simm.s32 @!p5 $0x80;
	s15 =	rddreg [dreg:$0x4];
	[sflag:s12] =	ssyncadd.s32 @!p1 $0xFFFFC000  }
0x56: {  	[tilespmem:s7], [sflag:$0x2] =	stream.linear.gather @!p5 [hbm4b:s31+s6], $0x80, $0x38;
	[tilespmem:$0x1B980] =	vst v63  }
0x57: {  	s23 =	sadd.s32 $0x200, s23;
	p2 =	sge.u32 s4, s15;
	s7 =	sadd.s32 $0xFFFFFFFF, s0  }
0x58: {  	s9 =	simm.s32 @!p0 $0x100;
	s12 =	simm.s32 @!p5 $0x4100;
	s7 =	sand.u32 @!p2 $0x1, s7  }
0x59: {  	[tilespmem:s12], [sflag:$0x4] =	stream.linear.gather @!p5 [hbm4b:s30+s6], $0x4000, $0x38;
	[tilespmem:$0x1B980] =	vst v63  }
0x5a: {  	s4 =	sadd.s32 @!p0 s13, s11;
	s6 =	simm.s32 @!p0 $0x0;
	p5 =	seq.s32 @!p2 s7, $0x1  }
0x5b: {  	[tilespmem:s6], [sflag:$0x1] =	stream.linear.gather @!p0 [hbm4b:s4+s6], $0x80, $0x38;
	[tilespmem:$0x1B980] =	vst v63  }
0x5c: {  	s31 =	sadd.s32 $0x200, s31;
	s0 =	sadd.s32 $0x1, s0;
	p4 =	por !p5, p2  }
0x5d: {  	[tilespmem:s9], [sflag:$0x3] =	stream.linear.gather @!p0 [hbm4b:s30+s6], $0x4000, $0x38;
	[tilespmem:$0x1B980] =	vst v63  }
.Ltmp0:
0x5e: {  	p2 =	por p5, p2;
	s6 =	simm.s32 @!p4 $0x2;
	(pc) =	sbr.rel @p3 .LBB2_2-.Ltmp0, $4  }
0x5f: {  	s4 =	smov.u32 s5;
	s7 =	simm.s32 @!p4 $0x4;
	_ =	swait.ge @!p4 [sflag:s6], $0x80  }
0x60: {  	s12 =	simm.s32 @!p4 $0x80;
	s30 =	sadd.s32 $0x10000, s30;
	[sflag:s6] =	ssyncset.done @!p4 $0x0  }
0x61: {  	s9 =	sadd.s32 s10, s3;
	s10 =	simm.s32 @!p4 $0x4100;
	[sflag:s6] =	ssyncadd.s32 @!p4 $0xFFFFFF80  }
0x62: {  	p1 =	sgt.u32 s9, $0x4E1;
	s6 =	simm.s32 @!p2 $0x100;
	_ =	swait.ge @!p4 [sflag:s7], $0x4000  }
0x63: {  	[sflag:s7] =	ssyncset.done @!p4 $0x0  }
0x64: {  	s5 =	simm.s32 @!p2 $0x1;
	[sflag:s7] =	ssyncadd.s32 @!p4 $0xFFFFC000  }
0x65: {  	[spmem:s1] =	stream.indirect.scatter.add.f32 @!p4 [tilespmem:s10], [sflag:$0x6], $0x80, s12, s12, $0xb8;
	[tilespmem:$0x1B980] =	vst v63  }
0x66: {  	s9 =	sadd.s32 $0x40, s9;
	s7 =	simm.s32 @!p2 $0x3;
	_ =	swait.ge @!p2 [sflag:s5], $0x80  }
0x67: {  	p0 =	sgt.u32 s9, $0x4E1;
	s10 =	sand.u32 @!p1 $0x1, s0;
	[sflag:s5] =	ssyncset.done @!p2 $0x0  }
0x68: {  	s9 =	simm.s32 @!p2 $0x80;
	p3 =	seq.s32 @!p1 s10, $0x1;
	[sflag:s5] =	ssyncadd.s32 @!p2 $0xFFFFFF80  }
0x69: {  	s10 =	simm.s32 @!p1 $0x6;
	p4 =	por !p3, p1;
	_ =	swait.ge @!p2 [sflag:s7], $0x4000  }
0x6a: {  	s5 =	sand.u32 @!p0 $0x1, s0;
	s10 =	simm.s32 @p4 $0x5;
	[sflag:s7] =	ssyncset.done @!p2 $0x0  }
0x6b: {  	p3 =	seq.s32 @!p0 s5, $0x1;
	s5 =	simm.s32 @!p2 $0x0;
	[sflag:s7] =	ssyncadd.s32 @!p2 $0xFFFFC000  }
0x6c: {  	[spmem:s1] =	stream.indirect.scatter.add.f32 @!p2 [tilespmem:s6], [sflag:$0x5], $0x80, s5, s9, $0xb8;
	[tilespmem:$0x1B980] =	vst v63  }
0x6d: {  	s0 =	sadd.s32 $0xFFFFFFFF, s0;
	p2 =	por !p3, p0;
	_ =	swait.ge @!p1 [sflag:s10], $0x4000  }
0x6e: {  	s5 =	simm.s32 @!p2 $0x0;
	s6 =	simm.s32 @!p2 $0x80;
	[sflag:s10] =	ssyncset.done @!p1 $0x0  }
0x6f: {  	s15 =	rddreg [dreg:$0x4];
	[sflag:s10] =	ssyncadd.s32 @!p1 $0xFFFFC000;
	p1 =	por p3, p0  }
0x70: {  	[tilespmem:s6], [sflag:$0x2] =	stream.linear.gather @!p2 [hbm4b:s31+s5], $0x80, $0x38;
	[tilespmem:$0x1B980] =	vst v63  }
0x71: {  	s9 =	simm.s32 @!p2 $0x4100;
	p0 =	sge.u32 s4, s15;
	s6 =	sand.u32 @!p1 $0x7D80, s23  }
0x72: {  	[tilespmem:s9], [sflag:$0x4] =	stream.linear.gather @!p2 [hbm4b:s30+s5], $0x4000, $0x38;
	[tilespmem:$0x1B980] =	vst v63  }
0x73: {  	s0 =	sand.u32 @!p0 $0x1, s0;
	s4 =	sadd.s32 @!p1 s6, s11;
	s5 =	simm.s32 @!p1 $0x0  }
0x74: {  	[tilespmem:s5], [sflag:$0x1] =	stream.linear.gather @!p1 [hbm4b:s4+s5], $0x80, $0x38;
	[tilespmem:$0x1B980] =	vst v63  }
0x75: {  	p2 =	seq.s32 @!p0 s0, $0x1;
	s4 =	simm.s32 @!p1 $0x100  }
0x76: {  	[tilespmem:s4], [sflag:$0x3] =	stream.linear.gather @!p1 [hbm4b:s30+s5], $0x4000, $0x38;
	[tilespmem:$0x1B980] =	vst v63  }
0x77: {  	p1 =	por !p2, p0  }
0x78: {  	s0 =	simm.s32 @!p1 $0x2  }
0x79: {  	_ =	swait.ge @!p1 [sflag:s0], $0x80  }
0x7a: {  	[sflag:s0] =	ssyncset.done @!p1 $0x0  }
0x7b: {  	s4 =	simm.s32 @!p1 $0x4;
	[sflag:s0] =	ssyncadd.s32 @!p1 $0xFFFFFF80  }
0x7c: {  	_ =	swait.ge @!p1 [sflag:s4], $0x4000  }
0x7d: {  	p0 =	por p2, p0;
	s5 =	simm.s32 @!p1 $0x80;
	[sflag:s4] =	ssyncset.done @!p1 $0x0  }
0x7e: {  	s6 =	simm.s32 @!p0 $0x1;
	s0 =	simm.s32 @!p1 $0x4100;
	[sflag:s4] =	ssyncadd.s32 @!p1 $0xFFFFC000  }
0x7f: {  	[spmem:s1] =	stream.indirect.scatter.add.f32 @!p1 [tilespmem:s0], [sflag:$0x6], $0x80, s5, s5, $0xb8;
	[tilespmem:$0x1B980] =	vst v63  }
0x80: {  	_ =	swait.ge @!p0 [sflag:s6], $0x80  }
0x81: {  	[sflag:s6] =	ssyncset.done @!p0 $0x0  }
0x82: {  	s0 =	simm.s32 @!p0 $0x3;
	[sflag:s6] =	ssyncadd.s32 @!p0 $0xFFFFFF80  }
0x83: {  	_ =	swait.ge @!p0 [sflag:s0], $0x4000  }
0x84: {  	s4 =	simm.s32 @!p0 $0x100;
	[sflag:s0] =	ssyncset.done @!p0 $0x0  }
0x85: {  	s5 =	simm.s32 @!p0 $0x0;
	s6 =	simm.s32 @!p0 $0x80;
	[sflag:s0] =	ssyncadd.s32 @!p0 $0xFFFFC000  }
0x86: {  	[spmem:s1] =	stream.indirect.scatter.add.f32 @!p0 [tilespmem:s4], [sflag:$0x5], $0x80, s5, s6, $0xb8;
	[tilespmem:$0x1B980] =	vst v63  }
0x87: {  	[bflag:$0x0] =	sbarrier.arrive $0xFFFF  }
0x88: {  	s23 =	rddreg [dreg:$0xb]  }
0x89: {  	[hbm:s23], [sflag:s8] =	dma.local [spmem:s28], $0x2700  }
0x8a: {  	_ =	swait.ge [sflag:s21], $0x2700  }
0x8b: {  	s30 =	sld [smem:$0x7FD];
	_ =	sdelay $0x1  }
0x8c: {  	[sflag:s21] =	ssyncset.done $0x0  }
0x8d: {  	s0 =	rddreg [dreg:$0xc];
	[sflag:s21] =	ssyncadd.s32 $0xFFFFD900;
	p1 =	seq.s32 s30, $0x1  }
0x8e: {  	[hbm:s0], [sflag:s8] =	dma.local @!p1 [spmem:s29], $0x100  }
0x8f: {  	s0 =	simm.s32 @!p1 $0x7  }
0x90: {  	_ =	swait.ge @!p1 [sflag:s0], $0x100  }
0x91: {  	s26 =	sadd.s32 $0x1, s26;
	s31 =	rddreg [dreg:$0xd]  }
0x92: {  	p0 =	sne.s32 s26, s31  }
.Ltmp1:
0x93: {  	_ = 	snop;
	(pc) =	sbr.rel @p0 .LBB2_1-.Ltmp1, $3  }
0x94: {  	_ =	sdelay $0x1  }
0x95: {  	[sflag:s0] =	ssyncset.done @!p1 $0x0  }
0x96: {  	[sflag:s0] =	ssyncadd.s32 @!p1 $0xFFFFFF00  }
0x97: {  	_ =	sfence.sel $0x180000  }
0x98: {  	[bflag:$0x0] =	sbarrier.arrive $0xFFFF  }
0x99: {  	_ =	strace $0x9000004A  }
0x9a: {  	[bflag:$0x2] =	sbarrier.arrive $0xFFFF  }
0x9b: {  	s0 =	rddreg [dreg:$0x3]  }
0x9c: {  	s0 =	sadd.s32 @!p1 $0x100000, s0  }
0x9d: {  	[sflag:s0] =	ssyncadd.tile.s32 @!p1 $0x1;
	_ =	shalt  }
.Lfunc_end2:
_tile_overlayer_lowered:
.L_overlay_start_2:
0x9e: {  	(tag) =	ssettag $0x2  }
0x9f: {  	s0 =	rddreg [dreg:$0x0];
	s2 =	stileid.u32  }
0xa0: {  	s1 =	rddreg [dreg:$0x1];
	p0 =	sne.s32 s2, $0x0  }
0xa1: {  	s3 =	rddreg [dreg:$0x2];
	[bflag:$0x3] =	sbarrier.arrive $0xFFFF;
	s2 =	simm.s32 @!p0 $0x1C07  }
0xa2: {  	[timem:s3], [sflag:s2] =	dma.local @!p0 [hbm:s0], s1  }
0xa3: {  	s0 =	simm.s32 @!p0 $0x7  }
0xa4: {  	_ =	swait.ge @!p0 [sflag:s0], s1  }
0xa5: {  	s1 =	ssub.s32 @!p0 $0x0, s1;
	[sflag:s0] =	ssyncset.done @!p0 $0x0  }
0xa6: {  	[sflag:s0] =	ssyncadd.s32 @!p0 s1  }
0xa7: {  	[bflag:$0x3] =	sbarrier.arrive $0xFFFF  }
0xa8: {  	_ =	shalt  }

</sc_bundles>
